<compile_context>
chip_gen: v7x
topology: tpu7x:2x2x1
jax: 0.10.2.dev20260603
libtpu: 0.0.44.dev20260713+nightly
codegen_flags: <defaults>
</compile_context>

<pallas_src>
import jax
import jax.numpy as jnp
from jax import lax
from jax.experimental import pallas as pl
from jax.experimental.pallas import tpu as pltpu
from jax.experimental.pallas import tpu_sc as plsc

_KC = 1389.35457644382
_ADIV = 1.0 / (0.8854 * 0.5291772105638411)
_CUTOFF = 5.0
_CUTOFF_SWITCH = _CUTOFF - 1.0
_APOW = 0.23
_C1, _C2, _C3, _C4 = 0.1818, 0.5099, 0.2802, 0.02817
_A1, _A2, _A3, _A4 = 3.2, 0.9423, 0.4028, 0.2016
_SA, _SB, _SC = 6.0, 15.0, 10.0

_NC, _NS, _L = 2, 16, 16
_NW = _NC * _NS
_NB = 64
_ZTAB = 128


def _pick_chunk(n, cap):
    best = _L
    c = _L
    lim = min(n, cap)
    while c <= lim:
        if n % c == 0:
            best = c
        c += _L
    return best


def _pick_chunk_even(n, cap):
    best = _L
    c = _L
    lim = min(n, cap)
    while c <= lim:
        if n % (2 * c) == 0:
            best = c
        c += _L
    return best


def kernel(R1_esp, senders_esp, receivers_esp, Z, batch_index_esp):
    E = senders_esp.shape[0]
    N = Z.shape[0]
    assert E % _NW == 0 and N % _L == 0
    epw = E // _NW
    ch = _pick_chunk_even(epw, 4000)
    n_ech = epw // ch
    nvec = ch // _L

    za_tab = jnp.arange(_ZTAB, dtype=jnp.float32) ** _APOW
    R_flat = R1_esp.reshape(-1)
    s_i32 = senders_esp.astype(jnp.int32)
    r_i32 = receivers_esp.astype(jnp.int32)
    z_i32 = Z.astype(jnp.int32)
    b_i32 = batch_index_esp.astype(jnp.int32)

    mesh = plsc.VectorSubcoreMesh(
        core_axis_name="c", subcore_axis_name="s",
        num_cores=_NC, num_subcores=_NS)

    def body(R_hbm, s_hbm, r_hbm, b_hbm, z_hbm, za_hbm, out_hbm,
             zpack_v, za_v, sA, rA, RA, bA, sB, rB, RB, bB,
             acc_v, semA, semB):
        wid = lax.axis_index("s") * _NC + lax.axis_index("c")
        pltpu.sync_copy(za_hbm, za_v)
        pltpu.sync_copy(z_hbm, zpack_v)

        @plsc.parallel_loop(0, N // _L, unroll=8)
        def pack_vec(i):
            off = i * _L
            zz = zpack_v[pl.ds(off, _L)]
            za = plsc.load_gather(za_v, [zz])
            w = jnp.bitwise_or(
                jnp.bitwise_and(plsc.bitcast(za, jnp.int32), -128), zz)
            zpack_v[pl.ds(off, _L)] = w

        zero = jnp.zeros((_L,), jnp.float32)
        for k in range(_NB // _L):
            acc_v[pl.ds(k * _L, _L)] = zero

        ebase = wid * epw
        hbm_srcs = (s_hbm, r_hbm, R_hbm, b_hbm)
        bufsA = (sA, rA, RA, bA)
        bufsB = (sB, rB, RB, bB)

        def start_fetch(bufs, sem, base):
            for hb, dst in zip(hbm_srcs, bufs):
                pltpu.async_copy(hb.at[pl.ds(base, ch)], dst, sem)

        def drain(bufs, sem):
            for hb, dst in zip(hbm_srcs, bufs):
                pltpu.make_async_copy(hb.at[pl.ds(0, ch)], dst, sem).wait()

        def compute(bufs):
            s_v, r_v, R_v, b_v = bufs

            @plsc.parallel_loop(0, nvec, unroll=4)
            def vec(vi):
                off = vi * _L
                s16 = s_v[pl.ds(off, _L)]
                r16 = r_v[pl.ds(off, _L)]
                R16 = R_v[pl.ds(off, _L)]
                b16 = b_v[pl.ds(off, _L)]
                ws = plsc.load_gather(zpack_v, [s16])
                wr = plsc.load_gather(zpack_v, [r16])
                zs = jnp.bitwise_and(ws, 127).astype(jnp.float32)
                zr = jnp.bitwise_and(wr, 127).astype(jnp.float32)
                zas = plsc.bitcast(jnp.bitwise_and(ws, -128), jnp.float32)
                zar = plsc.bitcast(jnp.bitwise_and(wr, -128), jnp.float32)
                aR = (zas + zar) * _ADIV * R16
                phi = (_C1 * jnp.exp(aR * (-_A1)) + _C2 * jnp.exp(aR * (-_A2))
                       + _C3 * jnp.exp(aR * (-_A3)) + _C4 * jnp.exp(aR * (-_A4)))
                X = R16 - _CUTOFF_SWITCH
                X2 = X * X
                X3 = X2 * X
                X4 = X2 * X2
                X5 = X4 * X
                sw = jnp.clip(1.0 - _SA * X5 + _SB * X4 - _SC * X3, 0.0, 1.0)
                term = _KC * sw * phi * (zs * zr) / R16
                term = jnp.where(R16 < _CUTOFF, term, 0.0)
                plsc.addupdate_scatter(acc_v, [b16], term)

        start_fetch(bufsA, semA, ebase)

        def pair(p, carry):
            start_fetch(bufsB, semB, ebase + (2 * p + 1) * ch)
            drain(bufsA, semA)
            compute(bufsA)
            nxt = 2 * p + 2

            @pl.when(nxt < n_ech)
            def _():
                start_fetch(bufsA, semA, ebase + nxt * ch)
            drain(bufsB, semB)
            compute(bufsB)
            return carry
        lax.fori_loop(0, n_ech // 2, pair, 0)
        pltpu.sync_copy(acc_v, out_hbm.at[wid])

    run = pl.kernel(
        body,
        out_type=jax.ShapeDtypeStruct((_NW, _NB), jnp.float32),
        mesh=mesh,
        compiler_params=pltpu.CompilerParams(needs_layout_passes=False),
        scratch_types=[
            pltpu.VMEM((N,), jnp.int32),
            pltpu.VMEM((_ZTAB,), jnp.float32),
            pltpu.VMEM((ch,), jnp.int32),
            pltpu.VMEM((ch,), jnp.int32),
            pltpu.VMEM((ch,), jnp.float32),
            pltpu.VMEM((ch,), jnp.int32),
            pltpu.VMEM((ch,), jnp.int32),
            pltpu.VMEM((ch,), jnp.int32),
            pltpu.VMEM((ch,), jnp.float32),
            pltpu.VMEM((ch,), jnp.int32),
            pltpu.VMEM((_NB,), jnp.float32),
            pltpu.SemaphoreType.DMA,
            pltpu.SemaphoreType.DMA,
        ],
    )
    partials = run(R_flat, s_i32, r_i32, b_i32, z_i32, za_tab)
    return partials.sum(axis=0, dtype=jnp.float32).reshape(_NB, 1)

# --- scband reference (transcript-rebuilt; emitter-appended) ---
"""Pipeline reference for scband-zbl-10677288698561 (READ-ONLY COPY).

The authoritative reference and input builder live on the scoring server;
editing this copy changes nothing except your own understanding.
"""

import jax, jax.numpy as jnp
import numpy as np

E = 3200000
N = 50000
B = 64

_KC = 1389.35457644382
_ADIV = 1.0 / (0.8854 * 0.5291772105638411)
_CUTOFF = 5.0
_CUTOFF_SWITCH = _CUTOFF - 1.0
_SWITCH_DIFF = _CUTOFF - _CUTOFF_SWITCH
_APOW = 0.23
_C1, _C2, _C3, _C4 = 0.1818, 0.5099, 0.2802, 0.02817
_A1, _A2, _A3, _A4 = 3.2, 0.9423, 0.4028, 0.2016
_SA, _SB, _SC = 6.0, 15.0, 10.0


def setup_inputs(seed: int = 0) -> dict:
    key = jax.random.key(seed)
    k1, k2, k3, k4, k5 = jax.random.split(key, 5)
    R1_esp = jax.random.uniform(k1, (E, 1), dtype=jnp.float32, minval=0.5, maxval=5.5)
    senders_esp = jax.random.randint(k2, (E,), 0, N)
    receivers_esp = jax.random.randint(k3, (E,), 0, N)
    Z = jax.random.randint(k4, (N,), 1, 93)
    batch_index_esp = jnp.sort(jax.random.randint(k5, (E,), 0, B))
    return {
        "R1_esp": R1_esp,
        "senders_esp": senders_esp,
        "receivers_esp": receivers_esp,
        "Z": Z,
        "batch_index_esp": batch_index_esp,
    }


def _switching_fn(R1):
    X = (R1 - _CUTOFF_SWITCH) / _SWITCH_DIFF
    X3 = X ** 3
    X4 = X3 * X
    return jnp.clip(1.0 - _SA * X4 * X + _SB * X4 - _SC * X3, 0.0, 1.0)


def reference(R1_esp, senders_esp, receivers_esp, Z, batch_index_esp):
    # Instead of torch.where dynamic filtering, use a static mask (equivalent sum).
    mask = (R1_esp[:, 0] < _CUTOFF)
    Zf = Z.astype(jnp.float32)[:, None]            # [N, 1]
    Za = (Z.astype(jnp.float32) ** _APOW)[:, None]  # [N, 1]
    Zij = Zf[senders_esp] * Zf[receivers_esp]       # gather: [E, 1]
    a = (Za[senders_esp] + Za[receivers_esp]) * _ADIV
    a1 = _A1 * a
    a2 = _A2 * a
    a3 = _A3 * a
    a4 = _A4 * a
    phi = (_C1 * jnp.exp(-a1 * R1_esp) + _C2 * jnp.exp(-a2 * R1_esp)
           + _C3 * jnp.exp(-a3 * R1_esp) + _C4 * jnp.exp(-a4 * R1_esp))
    switching = _switching_fn(R1_esp)
    ZBL_terms = _KC * switching * phi * (Zij / R1_esp)  # [E, 1]
    ZBL_terms = jnp.where(mask[:, None], ZBL_terms, 0.0)
    V_ZBL = jax.ops.segment_sum(ZBL_terms, batch_index_esp, num_segments=B)  # [B, 1]
    return V_ZBL

if __name__ == "__main__":
    import jax
    _d = setup_inputs()
    print(jax.jit(kernel)(*tuple(_d.values())))

</pallas_src>

<mosaic_0001>
#map = affine_map<(d0, d1) -> (0)>
#map1 = affine_map<(d0, d1) -> (0, 0)>
module attributes {stable_mosaic.version = 14 : i64} {
  func.func @body(%arg0: i32, %arg1: i32, %arg2: memref<3200000xf32, #tpu.memory_space<hbm>>, %arg3: memref<3200000xi32, #tpu.memory_space<hbm>>, %arg4: memref<3200000xi32, #tpu.memory_space<hbm>>, %arg5: memref<3200000xi32, #tpu.memory_space<hbm>>, %arg6: memref<50000xi32, #tpu.memory_space<hbm>>, %arg7: memref<128xf32, #tpu.memory_space<hbm>>, %arg8: memref<32x64xf32, #tpu.memory_space<hbm>>, %arg9: memref<50000xi32, #tpu.memory_space<vmem>>, %arg10: memref<128xf32, #tpu.memory_space<vmem>>, %arg11: memref<2000xi32, #tpu.memory_space<vmem>>, %arg12: memref<2000xi32, #tpu.memory_space<vmem>>, %arg13: memref<2000xf32, #tpu.memory_space<vmem>>, %arg14: memref<2000xi32, #tpu.memory_space<vmem>>, %arg15: memref<2000xi32, #tpu.memory_space<vmem>>, %arg16: memref<2000xi32, #tpu.memory_space<vmem>>, %arg17: memref<2000xf32, #tpu.memory_space<vmem>>, %arg18: memref<2000xi32, #tpu.memory_space<vmem>>, %arg19: memref<64xf32, #tpu.memory_space<vmem>>, %arg20: memref<!tpu.dma_semaphore, #tpu.memory_space<semaphore_mem>>, %arg21: memref<!tpu.dma_semaphore, #tpu.memory_space<semaphore_mem>>) attributes {dimension_semantics = [#tpu.dimension_semantics<core_parallel>, #tpu.dimension_semantics<subcore_parallel>], iteration_bounds = array<i64: 2, 16>, scalar_prefetch = 0 : i64, scratch_operands = 13 : i64, tpu.core_type = #tpu.core_type<sc_vector_subcore>, window_params = [{transform_indices = #map}, {transform_indices = #map}, {transform_indices = #map}, {transform_indices = #map}, {transform_indices = #map}, {transform_indices = #map}, {transform_indices = #map1}]} {
    %mul3A = arith.constant 2 : i32
    %mul3A_0 = arith.muli %arg1, %mul3A : i32
    %add3A = arith.addi %mul3A_0, %arg0 : i32
    "tpu.region"() ({
      %run_scoped3A = tpu.sem_alloc : memref<!tpu.dma_semaphore, #tpu.memory_space<semaphore_mem>>
      tpu.enqueue_dma source(%arg7 : memref<128xf32, #tpu.memory_space<hbm>>) target(%arg10 : memref<128xf32, #tpu.memory_space<vmem>>) target_semaphore(%run_scoped3A : memref<!tpu.dma_semaphore, #tpu.memory_space<semaphore_mem>>)
      tpu.wait_dma2 semaphore(%run_scoped3A : memref<!tpu.dma_semaphore, #tpu.memory_space<semaphore_mem>>) src(%arg7 : memref<128xf32, #tpu.memory_space<hbm>>) dst(%arg10 : memref<128xf32, #tpu.memory_space<vmem>>)
      tpu.yield
    }) : () -> ()
    "tpu.region"() ({
      %run_scoped3A = tpu.sem_alloc : memref<!tpu.dma_semaphore, #tpu.memory_space<semaphore_mem>>
      tpu.enqueue_dma source(%arg6 : memref<50000xi32, #tpu.memory_space<hbm>>) target(%arg9 : memref<50000xi32, #tpu.memory_space<vmem>>) target_semaphore(%run_scoped3A : memref<!tpu.dma_semaphore, #tpu.memory_space<semaphore_mem>>)
      tpu.wait_dma2 semaphore(%run_scoped3A : memref<!tpu.dma_semaphore, #tpu.memory_space<semaphore_mem>>) src(%arg6 : memref<50000xi32, #tpu.memory_space<hbm>>) dst(%arg9 : memref<50000xi32, #tpu.memory_space<vmem>>)
      tpu.yield
    }) : () -> ()
    %parallel_loop3A = arith.constant 0 : i32
    %parallel_loop3A_1 = arith.constant 3125 : i32
    %parallel_loop3A_2 = arith.constant 1 : i32
    scf.for %parallel_loop3A_25 = %parallel_loop3A to %parallel_loop3A_1 step %parallel_loop3A_2  : i32 {
      %parallel_loop3A_26 = arith.constant 16 : i32
      %parallel_loop3A_27 = arith.muli %parallel_loop3A_25, %parallel_loop3A_26 : i32
      %parallel_loop3A_28 = arith.index_cast %parallel_loop3A_27 : i32 to index
      %parallel_loop3A_29 = tpu.vector_load %arg9[%parallel_loop3A_28] {strides = array<i32>} : memref<50000xi32, #tpu.memory_space<vmem>>, vector<16xi32>,
      %parallel_loop3A_30 = tpu.vector_load_idx %arg10[%parallel_loop3A_29] : memref<128xf32, #tpu.memory_space<vmem>>[vector<16xi32>], vector<16xf32>,
      %parallel_loop3A_31 = vector.bitcast %parallel_loop3A_30 : vector<16xf32> to vector<16xi32>
      %parallel_loop3A_32 = arith.constant -128 : i32
      %parallel_loop3A_33 = vector.broadcast %parallel_loop3A_32 : i32 to vector<16xi32>
      %parallel_loop3A_34 = arith.andi %parallel_loop3A_31, %parallel_loop3A_33 : vector<16xi32>
      %parallel_loop3A_35 = arith.ori %parallel_loop3A_34, %parallel_loop3A_29 : vector<16xi32>
      %parallel_loop3A_36 = arith.index_cast %parallel_loop3A_27 : i32 to index
      %parallel_loop3A_37 = tpu.vector_load %arg9[%parallel_loop3A_36] {strides = array<i32>} : memref<50000xi32, #tpu.memory_space<vmem>>, vector<16xi32>,
      tpu.vector_store %arg9[%parallel_loop3A_36], %parallel_loop3A_35 {strides = array<i32>} : memref<50000xi32, #tpu.memory_space<vmem>>, vector<16xi32>,
    } {sc.loop_unroll_factor = 8 : i64, sc.parallel_access}
    %broadcast_in_dim3A = arith.constant 0.000000e+00 : f32
    %broadcast_in_dim3A_3 = vector.broadcast %broadcast_in_dim3A : f32 to vector<16xf32>
    %swap3A = arith.constant 0 : index
    %swap3A_4 = tpu.vector_load %arg19[%swap3A] {strides = array<i32>} : memref<64xf32, #tpu.memory_space<vmem>>, vector<16xf32>,
    tpu.vector_store %arg19[%swap3A], %broadcast_in_dim3A_3 {strides = array<i32>} : memref<64xf32, #tpu.memory_space<vmem>>, vector<16xf32>,
    %swap3A_5 = arith.constant 16 : index
    %swap3A_6 = tpu.vector_load %arg19[%swap3A_5] {strides = array<i32>} : memref<64xf32, #tpu.memory_space<vmem>>, vector<16xf32>,
    tpu.vector_store %arg19[%swap3A_5], %broadcast_in_dim3A_3 {strides = array<i32>} : memref<64xf32, #tpu.memory_space<vmem>>, vector<16xf32>,
    %swap3A_7 = arith.constant 32 : index
    %swap3A_8 = tpu.vector_load %arg19[%swap3A_7] {strides = array<i32>} : memref<64xf32, #tpu.memory_space<vmem>>, vector<16xf32>,
    tpu.vector_store %arg19[%swap3A_7], %broadcast_in_dim3A_3 {strides = array<i32>} : memref<64xf32, #tpu.memory_space<vmem>>, vector<16xf32>,
    %swap3A_9 = arith.constant 48 : index
    %swap3A_10 = tpu.vector_load %arg19[%swap3A_9] {strides = array<i32>} : memref<64xf32, #tpu.memory_space<vmem>>, vector<16xf32>,
    tpu.vector_store %arg19[%swap3A_9], %broadcast_in_dim3A_3 {strides = array<i32>} : memref<64xf32, #tpu.memory_space<vmem>>, vector<16xf32>,
    %mul3A_11 = arith.constant 100000 : i32
    %mul3A_12 = arith.muli %add3A, %mul3A_11 : i32
    %dma_start3A = tpu.memref_slice %arg3[%mul3A_12] : memref<3200000xi32, #tpu.memory_space<hbm>> -> memref<2000xi32, #tpu.memory_space<hbm>>
    %dma_start3A_13 = tpu.memref_slice %arg3[%mul3A_12] : memref<3200000xi32, #tpu.memory_space<hbm>> -> memref<2000xi32, #tpu.memory_space<hbm>>
    tpu.enqueue_dma source(%dma_start3A_13 : memref<2000xi32, #tpu.memory_space<hbm>>) target(%arg11 : memref<2000xi32, #tpu.memory_space<vmem>>) target_semaphore(%arg20 : memref<!tpu.dma_semaphore, #tpu.memory_space<semaphore_mem>>)
    %dma_start3A_14 = tpu.memref_slice %arg4[%mul3A_12] : memref<3200000xi32, #tpu.memory_space<hbm>> -> memref<2000xi32, #tpu.memory_space<hbm>>
    %dma_start3A_15 = tpu.memref_slice %arg4[%mul3A_12] : memref<3200000xi32, #tpu.memory_space<hbm>> -> memref<2000xi32, #tpu.memory_space<hbm>>
    tpu.enqueue_dma source(%dma_start3A_15 : memref<2000xi32, #tpu.memory_space<hbm>>) target(%arg12 : memref<2000xi32, #tpu.memory_space<vmem>>) target_semaphore(%arg20 : memref<!tpu.dma_semaphore, #tpu.memory_space<semaphore_mem>>)
    %dma_start3A_16 = tpu.memref_slice %arg2[%mul3A_12] : memref<3200000xf32, #tpu.memory_space<hbm>> -> memref<2000xf32, #tpu.memory_space<hbm>>
    %dma_start3A_17 = tpu.memref_slice %arg2[%mul3A_12] : memref<3200000xf32, #tpu.memory_space<hbm>> -> memref<2000xf32, #tpu.memory_space<hbm>>
    tpu.enqueue_dma source(%dma_start3A_17 : memref<2000xf32, #tpu.memory_space<hbm>>) target(%arg13 : memref<2000xf32, #tpu.memory_space<vmem>>) target_semaphore(%arg20 : memref<!tpu.dma_semaphore, #tpu.memory_space<semaphore_mem>>)
    %dma_start3A_18 = tpu.memref_slice %arg5[%mul3A_12] : memref<3200000xi32, #tpu.memory_space<hbm>> -> memref<2000xi32, #tpu.memory_space<hbm>>
    %dma_start3A_19 = tpu.memref_slice %arg5[%mul3A_12] : memref<3200000xi32, #tpu.memory_space<hbm>> -> memref<2000xi32, #tpu.memory_space<hbm>>
    tpu.enqueue_dma source(%dma_start3A_19 : memref<2000xi32, #tpu.memory_space<hbm>>) target(%arg14 : memref<2000xi32, #tpu.memory_space<vmem>>) target_semaphore(%arg20 : memref<!tpu.dma_semaphore, #tpu.memory_space<semaphore_mem>>)
    %scan3A = arith.constant 0 : i32
    %scan3A_20 = arith.constant 0 : i32
    %scan3A_21 = arith.constant 25 : i32
    %scan3A_22 = arith.addi %scan3A_20, %scan3A_21 : i32
    %scan3A_23 = arith.constant 1 : i32
    scf.for %scan3A_25 = %scan3A_20 to %scan3A_22 step %scan3A_23  : i32 {
      %mul3A_26 = arith.constant 2 : i32
      %mul3A_27 = arith.muli %mul3A_26, %scan3A_25 : i32
      %add3A_28 = arith.constant 1 : i32
      %add3A_29 = arith.addi %mul3A_27, %add3A_28 : i32
      %mul3A_30 = arith.constant 2000 : i32
      %mul3A_31 = arith.muli %add3A_29, %mul3A_30 : i32
      %add3A_32 = arith.addi %mul3A_12, %mul3A_31 : i32
      %dma_start3A_33 = tpu.memref_slice %arg3[%add3A_32] : memref<3200000xi32, #tpu.memory_space<hbm>> -> memref<2000xi32, #tpu.memory_space<hbm>>
      %dma_start3A_34 = tpu.memref_slice %arg3[%add3A_32] : memref<3200000xi32, #tpu.memory_space<hbm>> -> memref<2000xi32, #tpu.memory_space<hbm>>
      tpu.enqueue_dma source(%dma_start3A_34 : memref<2000xi32, #tpu.memory_space<hbm>>) target(%arg15 : memref<2000xi32, #tpu.memory_space<vmem>>) target_semaphore(%arg21 : memref<!tpu.dma_semaphore, #tpu.memory_space<semaphore_mem>>)
      %dma_start3A_35 = tpu.memref_slice %arg4[%add3A_32] : memref<3200000xi32, #tpu.memory_space<hbm>> -> memref<2000xi32, #tpu.memory_space<hbm>>
      %dma_start3A_36 = tpu.memref_slice %arg4[%add3A_32] : memref<3200000xi32, #tpu.memory_space<hbm>> -> memref<2000xi32, #tpu.memory_space<hbm>>
      tpu.enqueue_dma source(%dma_start3A_36 : memref<2000xi32, #tpu.memory_space<hbm>>) target(%arg16 : memref<2000xi32, #tpu.memory_space<vmem>>) target_semaphore(%arg21 : memref<!tpu.dma_semaphore, #tpu.memory_space<semaphore_mem>>)
      %dma_start3A_37 = tpu.memref_slice %arg2[%add3A_32] : memref<3200000xf32, #tpu.memory_space<hbm>> -> memref<2000xf32, #tpu.memory_space<hbm>>
      %dma_start3A_38 = tpu.memref_slice %arg2[%add3A_32] : memref<3200000xf32, #tpu.memory_space<hbm>> -> memref<2000xf32, #tpu.memory_space<hbm>>
      tpu.enqueue_dma source(%dma_start3A_38 : memref<2000xf32, #tpu.memory_space<hbm>>) target(%arg17 : memref<2000xf32, #tpu.memory_space<vmem>>) target_semaphore(%arg21 : memref<!tpu.dma_semaphore, #tpu.memory_space<semaphore_mem>>)
      %dma_start3A_39 = tpu.memref_slice %arg5[%add3A_32] : memref<3200000xi32, #tpu.memory_space<hbm>> -> memref<2000xi32, #tpu.memory_space<hbm>>
      %dma_start3A_40 = tpu.memref_slice %arg5[%add3A_32] : memref<3200000xi32, #tpu.memory_space<hbm>> -> memref<2000xi32, #tpu.memory_space<hbm>>
      tpu.enqueue_dma source(%dma_start3A_40 : memref<2000xi32, #tpu.memory_space<hbm>>) target(%arg18 : memref<2000xi32, #tpu.memory_space<vmem>>) target_semaphore(%arg21 : memref<!tpu.dma_semaphore, #tpu.memory_space<semaphore_mem>>)
      %dma_wait3A = arith.constant 0 : i32
      %dma_wait3A_41 = tpu.memref_slice %arg3[%dma_wait3A] : memref<3200000xi32, #tpu.memory_space<hbm>> -> memref<2000xi32, #tpu.memory_space<hbm>>
      %dma_wait3A_42 = arith.constant 0 : i32
      %dma_wait3A_43 = tpu.memref_slice %arg3[%dma_wait3A_42] : memref<3200000xi32, #tpu.memory_space<hbm>> -> memref<2000xi32, #tpu.memory_space<hbm>>
      tpu.wait_dma2 semaphore(%arg20 : memref<!tpu.dma_semaphore, #tpu.memory_space<semaphore_mem>>) src(%dma_wait3A_43 : memref<2000xi32, #tpu.memory_space<hbm>>) dst(%arg11 : memref<2000xi32, #tpu.memory_space<vmem>>)
      %dma_wait3A_44 = arith.constant 0 : i32
      %dma_wait3A_45 = tpu.memref_slice %arg4[%dma_wait3A_44] : memref<3200000xi32, #tpu.memory_space<hbm>> -> memref<2000xi32, #tpu.memory_space<hbm>>
      %dma_wait3A_46 = arith.constant 0 : i32
      %dma_wait3A_47 = tpu.memref_slice %arg4[%dma_wait3A_46] : memref<3200000xi32, #tpu.memory_space<hbm>> -> memref<2000xi32, #tpu.memory_space<hbm>>
      tpu.wait_dma2 semaphore(%arg20 : memref<!tpu.dma_semaphore, #tpu.memory_space<semaphore_mem>>) src(%dma_wait3A_47 : memref<2000xi32, #tpu.memory_space<hbm>>) dst(%arg12 : memref<2000xi32, #tpu.memory_space<vmem>>)
      %dma_wait3A_48 = arith.constant 0 : i32
      %dma_wait3A_49 = tpu.memref_slice %arg2[%dma_wait3A_48] : memref<3200000xf32, #tpu.memory_space<hbm>> -> memref<2000xf32, #tpu.memory_space<hbm>>
      %dma_wait3A_50 = arith.constant 0 : i32
      %dma_wait3A_51 = tpu.memref_slice %arg2[%dma_wait3A_50] : memref<3200000xf32, #tpu.memory_space<hbm>> -> memref<2000xf32, #tpu.memory_space<hbm>>
      tpu.wait_dma2 semaphore(%arg20 : memref<!tpu.dma_semaphore, #tpu.memory_space<semaphore_mem>>) src(%dma_wait3A_51 : memref<2000xf32, #tpu.memory_space<hbm>>) dst(%arg13 : memref<2000xf32, #tpu.memory_space<vmem>>)
      %dma_wait3A_52 = arith.constant 0 : i32
      %dma_wait3A_53 = tpu.memref_slice %arg5[%dma_wait3A_52] : memref<3200000xi32, #tpu.memory_space<hbm>> -> memref<2000xi32, #tpu.memory_space<hbm>>
      %dma_wait3A_54 = arith.constant 0 : i32
      %dma_wait3A_55 = tpu.memref_slice %arg5[%dma_wait3A_54] : memref<3200000xi32, #tpu.memory_space<hbm>> -> memref<2000xi32, #tpu.memory_space<hbm>>
      tpu.wait_dma2 semaphore(%arg20 : memref<!tpu.dma_semaphore, #tpu.memory_space<semaphore_mem>>) src(%dma_wait3A_55 : memref<2000xi32, #tpu.memory_space<hbm>>) dst(%arg14 : memref<2000xi32, #tpu.memory_space<vmem>>)
      %parallel_loop3A_56 = arith.constant 0 : i32
      %parallel_loop3A_57 = arith.constant 125 : i32
      %parallel_loop3A_58 = arith.constant 1 : i32
      scf.for %parallel_loop3A_84 = %parallel_loop3A_56 to %parallel_loop3A_57 step %parallel_loop3A_58  : i32 {
        %parallel_loop3A_85 = arith.constant 16 : i32
        %parallel_loop3A_86 = arith.muli %parallel_loop3A_84, %parallel_loop3A_85 : i32
        %parallel_loop3A_87 = arith.index_cast %parallel_loop3A_86 : i32 to index
        %parallel_loop3A_88 = tpu.vector_load %arg11[%parallel_loop3A_87] {strides = array<i32>} : memref<2000xi32, #tpu.memory_space<vmem>>, vector<16xi32>,
        %parallel_loop3A_89 = arith.index_cast %parallel_loop3A_86 : i32 to index
        %parallel_loop3A_90 = tpu.vector_load %arg12[%parallel_loop3A_89] {strides = array<i32>} : memref<2000xi32, #tpu.memory_space<vmem>>, vector<16xi32>,
        %parallel_loop3A_91 = arith.index_cast %parallel_loop3A_86 : i32 to index
        %parallel_loop3A_92 = tpu.vector_load %arg13[%parallel_loop3A_91] {strides = array<i32>} : memref<2000xf32, #tpu.memory_space<vmem>>, vector<16xf32>,
        %parallel_loop3A_93 = arith.index_cast %parallel_loop3A_86 : i32 to index
        %parallel_loop3A_94 = tpu.vector_load %arg14[%parallel_loop3A_93] {strides = array<i32>} : memref<2000xi32, #tpu.memory_space<vmem>>, vector<16xi32>,
        %parallel_loop3A_95 = tpu.vector_load_idx %arg9[%parallel_loop3A_88] : memref<50000xi32, #tpu.memory_space<vmem>>[vector<16xi32>], vector<16xi32>,
        %parallel_loop3A_96 = tpu.vector_load_idx %arg9[%parallel_loop3A_90] : memref<50000xi32, #tpu.memory_space<vmem>>[vector<16xi32>], vector<16xi32>,
        %parallel_loop3A_97 = arith.constant 127 : i32
        %parallel_loop3A_98 = vector.broadcast %parallel_loop3A_97 : i32 to vector<16xi32>
        %parallel_loop3A_99 = arith.andi %parallel_loop3A_95, %parallel_loop3A_98 : vector<16xi32>
        %parallel_loop3A_100 = arith.sitofp %parallel_loop3A_99 : vector<16xi32> to vector<16xf32>
        %parallel_loop3A_101 = arith.constant 127 : i32
        %parallel_loop3A_102 = vector.broadcast %parallel_loop3A_101 : i32 to vector<16xi32>
        %parallel_loop3A_103 = arith.andi %parallel_loop3A_96, %parallel_loop3A_102 : vector<16xi32>
        %parallel_loop3A_104 = arith.sitofp %parallel_loop3A_103 : vector<16xi32> to vector<16xf32>
        %parallel_loop3A_105 = arith.constant -128 : i32
        %parallel_loop3A_106 = vector.broadcast %parallel_loop3A_105 : i32 to vector<16xi32>
        %parallel_loop3A_107 = arith.andi %parallel_loop3A_95, %parallel_loop3A_106 : vector<16xi32>
        %parallel_loop3A_108 = vector.bitcast %parallel_loop3A_107 : vector<16xi32> to vector<16xf32>
        %parallel_loop3A_109 = arith.constant -128 : i32
        %parallel_loop3A_110 = vector.broadcast %parallel_loop3A_109 : i32 to vector<16xi32>
        %parallel_loop3A_111 = arith.andi %parallel_loop3A_96, %parallel_loop3A_110 : vector<16xi32>
        %parallel_loop3A_112 = vector.bitcast %parallel_loop3A_111 : vector<16xi32> to vector<16xf32>
        %parallel_loop3A_113 = arith.addf %parallel_loop3A_108, %parallel_loop3A_112 : vector<16xf32>
        %parallel_loop3A_114 = arith.constant 2.13431907 : f32
        %parallel_loop3A_115 = vector.broadcast %parallel_loop3A_114 : f32 to vector<16xf32>
        %parallel_loop3A_116 = arith.mulf %parallel_loop3A_113, %parallel_loop3A_115 : vector<16xf32>
        %parallel_loop3A_117 = arith.mulf %parallel_loop3A_116, %parallel_loop3A_92 : vector<16xf32>
        %parallel_loop3A_118 = arith.constant -3.200000e+00 : f32
        %parallel_loop3A_119 = vector.broadcast %parallel_loop3A_118 : f32 to vector<16xf32>
        %parallel_loop3A_120 = arith.mulf %parallel_loop3A_117, %parallel_loop3A_119 : vector<16xf32>
        %parallel_loop3A_121 = math.exp %parallel_loop3A_120 : vector<16xf32>
        %parallel_loop3A_122 = arith.constant 1.818000e-01 : f32
        %parallel_loop3A_123 = vector.broadcast %parallel_loop3A_122 : f32 to vector<16xf32>
        %parallel_loop3A_124 = arith.mulf %parallel_loop3A_123, %parallel_loop3A_121 : vector<16xf32>
        %parallel_loop3A_125 = arith.constant -9.423000e-01 : f32
        %parallel_loop3A_126 = vector.broadcast %parallel_loop3A_125 : f32 to vector<16xf32>
        %parallel_loop3A_127 = arith.mulf %parallel_loop3A_117, %parallel_loop3A_126 : vector<16xf32>
        %parallel_loop3A_128 = math.exp %parallel_loop3A_127 : vector<16xf32>
        %parallel_loop3A_129 = arith.constant 5.099000e-01 : f32
        %parallel_loop3A_130 = vector.broadcast %parallel_loop3A_129 : f32 to vector<16xf32>
        %parallel_loop3A_131 = arith.mulf %parallel_loop3A_130, %parallel_loop3A_128 : vector<16xf32>
        %parallel_loop3A_132 = arith.addf %parallel_loop3A_124, %parallel_loop3A_131 : vector<16xf32>
        %parallel_loop3A_133 = arith.constant -4.028000e-01 : f32
        %parallel_loop3A_134 = vector.broadcast %parallel_loop3A_133 : f32 to vector<16xf32>
        %parallel_loop3A_135 = arith.mulf %parallel_loop3A_117, %parallel_loop3A_134 : vector<16xf32>
        %parallel_loop3A_136 = math.exp %parallel_loop3A_135 : vector<16xf32>
        %parallel_loop3A_137 = arith.constant 2.802000e-01 : f32
        %parallel_loop3A_138 = vector.broadcast %parallel_loop3A_137 : f32 to vector<16xf32>
        %parallel_loop3A_139 = arith.mulf %parallel_loop3A_138, %parallel_loop3A_136 : vector<16xf32>
        %parallel_loop3A_140 = arith.addf %parallel_loop3A_132, %parallel_loop3A_139 : vector<16xf32>
        %parallel_loop3A_141 = arith.constant -2.016000e-01 : f32
        %parallel_loop3A_142 = vector.broadcast %parallel_loop3A_141 : f32 to vector<16xf32>
        %parallel_loop3A_143 = arith.mulf %parallel_loop3A_117, %parallel_loop3A_142 : vector<16xf32>
        %parallel_loop3A_144 = math.exp %parallel_loop3A_143 : vector<16xf32>
        %parallel_loop3A_145 = arith.constant 2.817000e-02 : f32
        %parallel_loop3A_146 = vector.broadcast %parallel_loop3A_145 : f32 to vector<16xf32>
        %parallel_loop3A_147 = arith.mulf %parallel_loop3A_146, %parallel_loop3A_144 : vector<16xf32>
        %parallel_loop3A_148 = arith.addf %parallel_loop3A_140, %parallel_loop3A_147 : vector<16xf32>
        %parallel_loop3A_149 = arith.constant 4.000000e+00 : f32
        %parallel_loop3A_150 = vector.broadcast %parallel_loop3A_149 : f32 to vector<16xf32>
        %parallel_loop3A_151 = arith.subf %parallel_loop3A_92, %parallel_loop3A_150 : vector<16xf32>
        %parallel_loop3A_152 = arith.mulf %parallel_loop3A_151, %parallel_loop3A_151 : vector<16xf32>
        %parallel_loop3A_153 = arith.mulf %parallel_loop3A_152, %parallel_loop3A_151 : vector<16xf32>
        %parallel_loop3A_154 = arith.mulf %parallel_loop3A_152, %parallel_loop3A_152 : vector<16xf32>
        %parallel_loop3A_155 = arith.mulf %parallel_loop3A_154, %parallel_loop3A_151 : vector<16xf32>
        %parallel_loop3A_156 = arith.constant 6.000000e+00 : f32
        %parallel_loop3A_157 = vector.broadcast %parallel_loop3A_156 : f32 to vector<16xf32>
        %parallel_loop3A_158 = arith.mulf %parallel_loop3A_157, %parallel_loop3A_155 : vector<16xf32>
        %parallel_loop3A_159 = arith.constant 1.000000e+00 : f32
        %parallel_loop3A_160 = vector.broadcast %parallel_loop3A_159 : f32 to vector<16xf32>
        %parallel_loop3A_161 = arith.subf %parallel_loop3A_160, %parallel_loop3A_158 : vector<16xf32>
        %parallel_loop3A_162 = arith.constant 1.500000e+01 : f32
        %parallel_loop3A_163 = vector.broadcast %parallel_loop3A_162 : f32 to vector<16xf32>
        %parallel_loop3A_164 = arith.mulf %parallel_loop3A_163, %parallel_loop3A_154 : vector<16xf32>
        %parallel_loop3A_165 = arith.addf %parallel_loop3A_161, %parallel_loop3A_164 : vector<16xf32>
        %parallel_loop3A_166 = arith.constant 1.000000e+01 : f32
        %parallel_loop3A_167 = vector.broadcast %parallel_loop3A_166 : f32 to vector<16xf32>
        %parallel_loop3A_168 = arith.mulf %parallel_loop3A_167, %parallel_loop3A_153 : vector<16xf32>
        %parallel_loop3A_169 = arith.subf %parallel_loop3A_165, %parallel_loop3A_168 : vector<16xf32>
        %parallel_loop3A_170 = arith.constant 0.000000e+00 : f32
        %parallel_loop3A_171 = arith.constant 1.000000e+00 : f32
        %parallel_loop3A_172 = vector.broadcast %parallel_loop3A_170 : f32 to vector<16xf32>
        %parallel_loop3A_173 = arith.maximumf %parallel_loop3A_172, %parallel_loop3A_169 : vector<16xf32>
        %parallel_loop3A_174 = vector.broadcast %parallel_loop3A_171 : f32 to vector<16xf32>
        %parallel_loop3A_175 = arith.minimumf %parallel_loop3A_174, %parallel_loop3A_173 : vector<16xf32>
        %parallel_loop3A_176 = arith.constant 1389.35461 : f32
        %parallel_loop3A_177 = vector.broadcast %parallel_loop3A_176 : f32 to vector<16xf32>
        %parallel_loop3A_178 = arith.mulf %parallel_loop3A_177, %parallel_loop3A_175 : vector<16xf32>
        %parallel_loop3A_179 = arith.mulf %parallel_loop3A_178, %parallel_loop3A_148 : vector<16xf32>
        %parallel_loop3A_180 = arith.mulf %parallel_loop3A_100, %parallel_loop3A_104 : vector<16xf32>
        %parallel_loop3A_181 = arith.mulf %parallel_loop3A_179, %parallel_loop3A_180 : vector<16xf32>
        %parallel_loop3A_182 = arith.divf %parallel_loop3A_181, %parallel_loop3A_92 : vector<16xf32>
        %parallel_loop3A_183 = arith.constant 5.000000e+00 : f32
        %parallel_loop3A_184 = vector.broadcast %parallel_loop3A_183 : f32 to vector<16xf32>
        %parallel_loop3A_185 = arith.cmpf olt, %parallel_loop3A_92, %parallel_loop3A_184 : vector<16xf32>
        %parallel_loop3A_186 = arith.constant 0.000000e+00 : f32
        %parallel_loop3A_187 = vector.broadcast %parallel_loop3A_186 : f32 to vector<16xf32>
        %parallel_loop3A_188 = arith.select %parallel_loop3A_185, %parallel_loop3A_182, %parallel_loop3A_187 : vector<16xi1>, vector<16xf32>
        tpu.vector_store_idx %arg19[%parallel_loop3A_94], %parallel_loop3A_188 {add = true} : memref<64xf32, #tpu.memory_space<vmem>>[vector<16xi32>], vector<16xf32>,
      } {sc.loop_unroll_factor = 4 : i64, sc.parallel_access}
      %mul3A_59 = arith.constant 2 : i32
      %mul3A_60 = arith.muli %mul3A_59, %scan3A_25 : i32
      %add3A_61 = arith.constant 2 : i32
      %add3A_62 = arith.addi %mul3A_60, %add3A_61 : i32
      %lt3A = arith.constant 50 : i32
      %lt3A_63 = arith.cmpi slt, %add3A_62, %lt3A : i32
      %convert_element_type3A = arith.extui %lt3A_63 : i1 to i32
      %cond3A = arith.constant 0 : i32
      %cond3A_64 = arith.cmpi ne, %convert_element_type3A, %cond3A : i32
      scf.if %cond3A_64 {
        %mul3A_84 = arith.constant 2000 : i32
        %mul3A_85 = arith.muli %add3A_62, %mul3A_84 : i32
        %add3A_86 = arith.addi %mul3A_12, %mul3A_85 : i32
        %dma_start3A_87 = tpu.memref_slice %arg3[%add3A_86] : memref<3200000xi32, #tpu.memory_space<hbm>> -> memref<2000xi32, #tpu.memory_space<hbm>>
        %dma_start3A_88 = tpu.memref_slice %arg3[%add3A_86] : memref<3200000xi32, #tpu.memory_space<hbm>> -> memref<2000xi32, #tpu.memory_space<hbm>>
        tpu.enqueue_dma source(%dma_start3A_88 : memref<2000xi32, #tpu.memory_space<hbm>>) target(%arg11 : memref<2000xi32, #tpu.memory_space<vmem>>) target_semaphore(%arg20 : memref<!tpu.dma_semaphore, #tpu.memory_space<semaphore_mem>>)
        %dma_start3A_89 = tpu.memref_slice %arg4[%add3A_86] : memref<3200000xi32, #tpu.memory_space<hbm>> -> memref<2000xi32, #tpu.memory_space<hbm>>
        %dma_start3A_90 = tpu.memref_slice %arg4[%add3A_86] : memref<3200000xi32, #tpu.memory_space<hbm>> -> memref<2000xi32, #tpu.memory_space<hbm>>
        tpu.enqueue_dma source(%dma_start3A_90 : memref<2000xi32, #tpu.memory_space<hbm>>) target(%arg12 : memref<2000xi32, #tpu.memory_space<vmem>>) target_semaphore(%arg20 : memref<!tpu.dma_semaphore, #tpu.memory_space<semaphore_mem>>)
        %dma_start3A_91 = tpu.memref_slice %arg2[%add3A_86] : memref<3200000xf32, #tpu.memory_space<hbm>> -> memref<2000xf32, #tpu.memory_space<hbm>>
        %dma_start3A_92 = tpu.memref_slice %arg2[%add3A_86] : memref<3200000xf32, #tpu.memory_space<hbm>> -> memref<2000xf32, #tpu.memory_space<hbm>>
        tpu.enqueue_dma source(%dma_start3A_92 : memref<2000xf32, #tpu.memory_space<hbm>>) target(%arg13 : memref<2000xf32, #tpu.memory_space<vmem>>) target_semaphore(%arg20 : memref<!tpu.dma_semaphore, #tpu.memory_space<semaphore_mem>>)
        %dma_start3A_93 = tpu.memref_slice %arg5[%add3A_86] : memref<3200000xi32, #tpu.memory_space<hbm>> -> memref<2000xi32, #tpu.memory_space<hbm>>
        %dma_start3A_94 = tpu.memref_slice %arg5[%add3A_86] : memref<3200000xi32, #tpu.memory_space<hbm>> -> memref<2000xi32, #tpu.memory_space<hbm>>
        tpu.enqueue_dma source(%dma_start3A_94 : memref<2000xi32, #tpu.memory_space<hbm>>) target(%arg14 : memref<2000xi32, #tpu.memory_space<vmem>>) target_semaphore(%arg20 : memref<!tpu.dma_semaphore, #tpu.memory_space<semaphore_mem>>)
      } else {
      }
      %dma_wait3A_65 = arith.constant 0 : i32
      %dma_wait3A_66 = tpu.memref_slice %arg3[%dma_wait3A_65] : memref<3200000xi32, #tpu.memory_space<hbm>> -> memref<2000xi32, #tpu.memory_space<hbm>>
      %dma_wait3A_67 = arith.constant 0 : i32
      %dma_wait3A_68 = tpu.memref_slice %arg3[%dma_wait3A_67] : memref<3200000xi32, #tpu.memory_space<hbm>> -> memref<2000xi32, #tpu.memory_space<hbm>>
      tpu.wait_dma2 semaphore(%arg21 : memref<!tpu.dma_semaphore, #tpu.memory_space<semaphore_mem>>) src(%dma_wait3A_68 : memref<2000xi32, #tpu.memory_space<hbm>>) dst(%arg15 : memref<2000xi32, #tpu.memory_space<vmem>>)
      %dma_wait3A_69 = arith.constant 0 : i32
      %dma_wait3A_70 = tpu.memref_slice %arg4[%dma_wait3A_69] : memref<3200000xi32, #tpu.memory_space<hbm>> -> memref<2000xi32, #tpu.memory_space<hbm>>
      %dma_wait3A_71 = arith.constant 0 : i32
      %dma_wait3A_72 = tpu.memref_slice %arg4[%dma_wait3A_71] : memref<3200000xi32, #tpu.memory_space<hbm>> -> memref<2000xi32, #tpu.memory_space<hbm>>
      tpu.wait_dma2 semaphore(%arg21 : memref<!tpu.dma_semaphore, #tpu.memory_space<semaphore_mem>>) src(%dma_wait3A_72 : memref<2000xi32, #tpu.memory_space<hbm>>) dst(%arg16 : memref<2000xi32, #tpu.memory_space<vmem>>)
      %dma_wait3A_73 = arith.constant 0 : i32
      %dma_wait3A_74 = tpu.memref_slice %arg2[%dma_wait3A_73] : memref<3200000xf32, #tpu.memory_space<hbm>> -> memref<2000xf32, #tpu.memory_space<hbm>>
      %dma_wait3A_75 = arith.constant 0 : i32
      %dma_wait3A_76 = tpu.memref_slice %arg2[%dma_wait3A_75] : memref<3200000xf32, #tpu.memory_space<hbm>> -> memref<2000xf32, #tpu.memory_space<hbm>>
      tpu.wait_dma2 semaphore(%arg21 : memref<!tpu.dma_semaphore, #tpu.memory_space<semaphore_mem>>) src(%dma_wait3A_76 : memref<2000xf32, #tpu.memory_space<hbm>>) dst(%arg17 : memref<2000xf32, #tpu.memory_space<vmem>>)
      %dma_wait3A_77 = arith.constant 0 : i32
      %dma_wait3A_78 = tpu.memref_slice %arg5[%dma_wait3A_77] : memref<3200000xi32, #tpu.memory_space<hbm>> -> memref<2000xi32, #tpu.memory_space<hbm>>
      %dma_wait3A_79 = arith.constant 0 : i32
      %dma_wait3A_80 = tpu.memref_slice %arg5[%dma_wait3A_79] : memref<3200000xi32, #tpu.memory_space<hbm>> -> memref<2000xi32, #tpu.memory_space<hbm>>
      tpu.wait_dma2 semaphore(%arg21 : memref<!tpu.dma_semaphore, #tpu.memory_space<semaphore_mem>>) src(%dma_wait3A_80 : memref<2000xi32, #tpu.memory_space<hbm>>) dst(%arg18 : memref<2000xi32, #tpu.memory_space<vmem>>)
      %parallel_loop3A_81 = arith.constant 0 : i32
      %parallel_loop3A_82 = arith.constant 125 : i32
      %parallel_loop3A_83 = arith.constant 1 : i32
      scf.for %parallel_loop3A_84 = %parallel_loop3A_81 to %parallel_loop3A_82 step %parallel_loop3A_83  : i32 {
        %parallel_loop3A_85 = arith.constant 16 : i32
        %parallel_loop3A_86 = arith.muli %parallel_loop3A_84, %parallel_loop3A_85 : i32
        %parallel_loop3A_87 = arith.index_cast %parallel_loop3A_86 : i32 to index
        %parallel_loop3A_88 = tpu.vector_load %arg15[%parallel_loop3A_87] {strides = array<i32>} : memref<2000xi32, #tpu.memory_space<vmem>>, vector<16xi32>,
        %parallel_loop3A_89 = arith.index_cast %parallel_loop3A_86 : i32 to index
        %parallel_loop3A_90 = tpu.vector_load %arg16[%parallel_loop3A_89] {strides = array<i32>} : memref<2000xi32, #tpu.memory_space<vmem>>, vector<16xi32>,
        %parallel_loop3A_91 = arith.index_cast %parallel_loop3A_86 : i32 to index
        %parallel_loop3A_92 = tpu.vector_load %arg17[%parallel_loop3A_91] {strides = array<i32>} : memref<2000xf32, #tpu.memory_space<vmem>>, vector<16xf32>,
        %parallel_loop3A_93 = arith.index_cast %parallel_loop3A_86 : i32 to index
        %parallel_loop3A_94 = tpu.vector_load %arg18[%parallel_loop3A_93] {strides = array<i32>} : memref<2000xi32, #tpu.memory_space<vmem>>, vector<16xi32>,
        %parallel_loop3A_95 = tpu.vector_load_idx %arg9[%parallel_loop3A_88] : memref<50000xi32, #tpu.memory_space<vmem>>[vector<16xi32>], vector<16xi32>,
        %parallel_loop3A_96 = tpu.vector_load_idx %arg9[%parallel_loop3A_90] : memref<50000xi32, #tpu.memory_space<vmem>>[vector<16xi32>], vector<16xi32>,
        %parallel_loop3A_97 = arith.constant 127 : i32
        %parallel_loop3A_98 = vector.broadcast %parallel_loop3A_97 : i32 to vector<16xi32>
        %parallel_loop3A_99 = arith.andi %parallel_loop3A_95, %parallel_loop3A_98 : vector<16xi32>
        %parallel_loop3A_100 = arith.sitofp %parallel_loop3A_99 : vector<16xi32> to vector<16xf32>
        %parallel_loop3A_101 = arith.constant 127 : i32
        %parallel_loop3A_102 = vector.broadcast %parallel_loop3A_101 : i32 to vector<16xi32>
        %parallel_loop3A_103 = arith.andi %parallel_loop3A_96, %parallel_loop3A_102 : vector<16xi32>
        %parallel_loop3A_104 = arith.sitofp %parallel_loop3A_103 : vector<16xi32> to vector<16xf32>
        %parallel_loop3A_105 = arith.constant -128 : i32
        %parallel_loop3A_106 = vector.broadcast %parallel_loop3A_105 : i32 to vector<16xi32>
        %parallel_loop3A_107 = arith.andi %parallel_loop3A_95, %parallel_loop3A_106 : vector<16xi32>
        %parallel_loop3A_108 = vector.bitcast %parallel_loop3A_107 : vector<16xi32> to vector<16xf32>
        %parallel_loop3A_109 = arith.constant -128 : i32
        %parallel_loop3A_110 = vector.broadcast %parallel_loop3A_109 : i32 to vector<16xi32>
        %parallel_loop3A_111 = arith.andi %parallel_loop3A_96, %parallel_loop3A_110 : vector<16xi32>
        %parallel_loop3A_112 = vector.bitcast %parallel_loop3A_111 : vector<16xi32> to vector<16xf32>
        %parallel_loop3A_113 = arith.addf %parallel_loop3A_108, %parallel_loop3A_112 : vector<16xf32>
        %parallel_loop3A_114 = arith.constant 2.13431907 : f32
        %parallel_loop3A_115 = vector.broadcast %parallel_loop3A_114 : f32 to vector<16xf32>
        %parallel_loop3A_116 = arith.mulf %parallel_loop3A_113, %parallel_loop3A_115 : vector<16xf32>
        %parallel_loop3A_117 = arith.mulf %parallel_loop3A_116, %parallel_loop3A_92 : vector<16xf32>
        %parallel_loop3A_118 = arith.constant -3.200000e+00 : f32
        %parallel_loop3A_119 = vector.broadcast %parallel_loop3A_118 : f32 to vector<16xf32>
        %parallel_loop3A_120 = arith.mulf %parallel_loop3A_117, %parallel_loop3A_119 : vector<16xf32>
        %parallel_loop3A_121 = math.exp %parallel_loop3A_120 : vector<16xf32>
        %parallel_loop3A_122 = arith.constant 1.818000e-01 : f32
        %parallel_loop3A_123 = vector.broadcast %parallel_loop3A_122 : f32 to vector<16xf32>
        %parallel_loop3A_124 = arith.mulf %parallel_loop3A_123, %parallel_loop3A_121 : vector<16xf32>
        %parallel_loop3A_125 = arith.constant -9.423000e-01 : f32
        %parallel_loop3A_126 = vector.broadcast %parallel_loop3A_125 : f32 to vector<16xf32>
        %parallel_loop3A_127 = arith.mulf %parallel_loop3A_117, %parallel_loop3A_126 : vector<16xf32>
        %parallel_loop3A_128 = math.exp %parallel_loop3A_127 : vector<16xf32>
        %parallel_loop3A_129 = arith.constant 5.099000e-01 : f32
        %parallel_loop3A_130 = vector.broadcast %parallel_loop3A_129 : f32 to vector<16xf32>
        %parallel_loop3A_131 = arith.mulf %parallel_loop3A_130, %parallel_loop3A_128 : vector<16xf32>
        %parallel_loop3A_132 = arith.addf %parallel_loop3A_124, %parallel_loop3A_131 : vector<16xf32>
        %parallel_loop3A_133 = arith.constant -4.028000e-01 : f32
        %parallel_loop3A_134 = vector.broadcast %parallel_loop3A_133 : f32 to vector<16xf32>
        %parallel_loop3A_135 = arith.mulf %parallel_loop3A_117, %parallel_loop3A_134 : vector<16xf32>
        %parallel_loop3A_136 = math.exp %parallel_loop3A_135 : vector<16xf32>
        %parallel_loop3A_137 = arith.constant 2.802000e-01 : f32
        %parallel_loop3A_138 = vector.broadcast %parallel_loop3A_137 : f32 to vector<16xf32>
        %parallel_loop3A_139 = arith.mulf %parallel_loop3A_138, %parallel_loop3A_136 : vector<16xf32>
        %parallel_loop3A_140 = arith.addf %parallel_loop3A_132, %parallel_loop3A_139 : vector<16xf32>
        %parallel_loop3A_141 = arith.constant -2.016000e-01 : f32
        %parallel_loop3A_142 = vector.broadcast %parallel_loop3A_141 : f32 to vector<16xf32>
        %parallel_loop3A_143 = arith.mulf %parallel_loop3A_117, %parallel_loop3A_142 : vector<16xf32>
        %parallel_loop3A_144 = math.exp %parallel_loop3A_143 : vector<16xf32>
        %parallel_loop3A_145 = arith.constant 2.817000e-02 : f32
        %parallel_loop3A_146 = vector.broadcast %parallel_loop3A_145 : f32 to vector<16xf32>
        %parallel_loop3A_147 = arith.mulf %parallel_loop3A_146, %parallel_loop3A_144 : vector<16xf32>
        %parallel_loop3A_148 = arith.addf %parallel_loop3A_140, %parallel_loop3A_147 : vector<16xf32>
        %parallel_loop3A_149 = arith.constant 4.000000e+00 : f32
        %parallel_loop3A_150 = vector.broadcast %parallel_loop3A_149 : f32 to vector<16xf32>
        %parallel_loop3A_151 = arith.subf %parallel_loop3A_92, %parallel_loop3A_150 : vector<16xf32>
        %parallel_loop3A_152 = arith.mulf %parallel_loop3A_151, %parallel_loop3A_151 : vector<16xf32>
        %parallel_loop3A_153 = arith.mulf %parallel_loop3A_152, %parallel_loop3A_151 : vector<16xf32>
        %parallel_loop3A_154 = arith.mulf %parallel_loop3A_152, %parallel_loop3A_152 : vector<16xf32>
        %parallel_loop3A_155 = arith.mulf %parallel_loop3A_154, %parallel_loop3A_151 : vector<16xf32>
        %parallel_loop3A_156 = arith.constant 6.000000e+00 : f32
        %parallel_loop3A_157 = vector.broadcast %parallel_loop3A_156 : f32 to vector<16xf32>
        %parallel_loop3A_158 = arith.mulf %parallel_loop3A_157, %parallel_loop3A_155 : vector<16xf32>
        %parallel_loop3A_159 = arith.constant 1.000000e+00 : f32
        %parallel_loop3A_160 = vector.broadcast %parallel_loop3A_159 : f32 to vector<16xf32>
        %parallel_loop3A_161 = arith.subf %parallel_loop3A_160, %parallel_loop3A_158 : vector<16xf32>
        %parallel_loop3A_162 = arith.constant 1.500000e+01 : f32
        %parallel_loop3A_163 = vector.broadcast %parallel_loop3A_162 : f32 to vector<16xf32>
        %parallel_loop3A_164 = arith.mulf %parallel_loop3A_163, %parallel_loop3A_154 : vector<16xf32>
        %parallel_loop3A_165 = arith.addf %parallel_loop3A_161, %parallel_loop3A_164 : vector<16xf32>
        %parallel_loop3A_166 = arith.constant 1.000000e+01 : f32
        %parallel_loop3A_167 = vector.broadcast %parallel_loop3A_166 : f32 to vector<16xf32>
        %parallel_loop3A_168 = arith.mulf %parallel_loop3A_167, %parallel_loop3A_153 : vector<16xf32>
        %parallel_loop3A_169 = arith.subf %parallel_loop3A_165, %parallel_loop3A_168 : vector<16xf32>
        %parallel_loop3A_170 = arith.constant 0.000000e+00 : f32
        %parallel_loop3A_171 = arith.constant 1.000000e+00 : f32
        %parallel_loop3A_172 = vector.broadcast %parallel_loop3A_170 : f32 to vector<16xf32>
        %parallel_loop3A_173 = arith.maximumf %parallel_loop3A_172, %parallel_loop3A_169 : vector<16xf32>
        %parallel_loop3A_174 = vector.broadcast %parallel_loop3A_171 : f32 to vector<16xf32>
        %parallel_loop3A_175 = arith.minimumf %parallel_loop3A_174, %parallel_loop3A_173 : vector<16xf32>
        %parallel_loop3A_176 = arith.constant 1389.35461 : f32
        %parallel_loop3A_177 = vector.broadcast %parallel_loop3A_176 : f32 to vector<16xf32>
        %parallel_loop3A_178 = arith.mulf %parallel_loop3A_177, %parallel_loop3A_175 : vector<16xf32>
        %parallel_loop3A_179 = arith.mulf %parallel_loop3A_178, %parallel_loop3A_148 : vector<16xf32>
        %parallel_loop3A_180 = arith.mulf %parallel_loop3A_100, %parallel_loop3A_104 : vector<16xf32>
        %parallel_loop3A_181 = arith.mulf %parallel_loop3A_179, %parallel_loop3A_180 : vector<16xf32>
        %parallel_loop3A_182 = arith.divf %parallel_loop3A_181, %parallel_loop3A_92 : vector<16xf32>
        %parallel_loop3A_183 = arith.constant 5.000000e+00 : f32
        %parallel_loop3A_184 = vector.broadcast %parallel_loop3A_183 : f32 to vector<16xf32>
        %parallel_loop3A_185 = arith.cmpf olt, %parallel_loop3A_92, %parallel_loop3A_184 : vector<16xf32>
        %parallel_loop3A_186 = arith.constant 0.000000e+00 : f32
        %parallel_loop3A_187 = vector.broadcast %parallel_loop3A_186 : f32 to vector<16xf32>
        %parallel_loop3A_188 = arith.select %parallel_loop3A_185, %parallel_loop3A_182, %parallel_loop3A_187 : vector<16xi1>, vector<16xf32>
        tpu.vector_store_idx %arg19[%parallel_loop3A_94], %parallel_loop3A_188 {add = true} : memref<64xf32, #tpu.memory_space<vmem>>[vector<16xi32>], vector<16xf32>,
      } {sc.loop_unroll_factor = 4 : i64, sc.parallel_access}
    }
    %scan3A_24 = arith.constant 25 : i32
    "tpu.region"() ({
      %run_scoped3A = tpu.sem_alloc : memref<!tpu.dma_semaphore, #tpu.memory_space<semaphore_mem>>
      %dma_start3A_25 = arith.constant 0 : i32
      %dma_start3A_26 = tpu.memref_slice %arg8[%add3A, %dma_start3A_25] : memref<32x64xf32, #tpu.memory_space<hbm>> -> memref<1x64xf32, #tpu.memory_space<hbm>>
      %dma_start3A_27 = tpu.memref_squeeze %dma_start3A_26 : memref<1x64xf32, #tpu.memory_space<hbm>> -> memref<64xf32, #tpu.memory_space<hbm>>
      %dma_start3A_28 = arith.constant 0 : i32
      %dma_start3A_29 = tpu.memref_slice %arg8[%add3A, %dma_start3A_28] : memref<32x64xf32, #tpu.memory_space<hbm>> -> memref<1x64xf32, #tpu.memory_space<hbm>>
      %dma_start3A_30 = tpu.memref_squeeze %dma_start3A_29 : memref<1x64xf32, #tpu.memory_space<hbm>> -> memref<64xf32, #tpu.memory_space<hbm>>
      tpu.enqueue_dma source(%arg19 : memref<64xf32, #tpu.memory_space<vmem>>) target(%dma_start3A_30 : memref<64xf32, #tpu.memory_space<hbm>>) target_semaphore(%run_scoped3A : memref<!tpu.dma_semaphore, #tpu.memory_space<semaphore_mem>>)
      %dma_wait3A = arith.constant 0 : i32
      %dma_wait3A_31 = tpu.memref_slice %arg8[%add3A, %dma_wait3A] : memref<32x64xf32, #tpu.memory_space<hbm>> -> memref<1x64xf32, #tpu.memory_space<hbm>>
      %dma_wait3A_32 = tpu.memref_squeeze %dma_wait3A_31 : memref<1x64xf32, #tpu.memory_space<hbm>> -> memref<64xf32, #tpu.memory_space<hbm>>
      %dma_wait3A_33 = arith.constant 0 : i32
      %dma_wait3A_34 = tpu.memref_slice %arg8[%add3A, %dma_wait3A_33] : memref<32x64xf32, #tpu.memory_space<hbm>> -> memref<1x64xf32, #tpu.memory_space<hbm>>
      %dma_wait3A_35 = tpu.memref_squeeze %dma_wait3A_34 : memref<1x64xf32, #tpu.memory_space<hbm>> -> memref<64xf32, #tpu.memory_space<hbm>>
      tpu.wait_dma2 semaphore(%run_scoped3A : memref<!tpu.dma_semaphore, #tpu.memory_space<semaphore_mem>>) src(%arg19 : memref<64xf32, #tpu.memory_space<vmem>>) dst(%dma_wait3A_35 : memref<64xf32, #tpu.memory_space<hbm>>)
      tpu.yield
    }) : () -> ()
    return
  }
}

</mosaic_0001>

<sc_bundles>
// kernel: kernel.3.cloned.1.call-start
scs
__scs_entry_jumppad:
0x0: {  	(pc) =	sbr.rel $0x88, $3  }
0x1: {  	(tag) =	ssettag $0x0;
	lr =	simm.s32 $0x1  }
0x2: {  	[smem:$0x3F9C] =	sst lr;
	_ =	strace $0xD0000000  }
0x3: {  	_ = 	snop  }
0x4: {  	_ = 	snop  }
0x5: {  	_ = 	snop  }
0x6: {  	_ = 	snop  }
0x7: {  	_ = 	snop  }
__scs_overlays_trampoline_lowered:
0x8: {  	[smem:$0x3FAB] =	sst s0  }
0x9: {  	[smem:$0x3FAC] =	sst s1  }
0xa: {  	[smem:$0x3FAD] =	sst s2  }
0xb: {  	[smem:$0x3FAE] =	sst s3  }
0xc: {  	[smem:$0x3FAF] =	sst s4  }
0xd: {  	[smem:$0x3FB0] =	sst s5  }
0xe: {  	[smem:$0x3FB1] =	sst s6  }
0xf: {  	[smem:$0x3FB2] =	sst s7  }
0x10: {  	[smem:$0x3FB3] =	sst s8  }
0x11: {  	[smem:$0x3FB4] =	sst s9;
	s0 =	simm.s32 @!p0 $0x0  }
0x12: {  	s1 =	sld [smem:$0x3F9A];
	s0 =	simm.s32 @p0 $0x1  }
0x13: {  	[smem:$0x3FB5] =	sst s0;
	s0 =	simm.s32 @!p1 $0x0  }
0x14: {  	s2 =	sld [smem:$0x3F99];
	s0 =	simm.s32 @p1 $0x1  }
0x15: {  	[smem:$0x3FB6] =	sst s0;
	s0 =	simm.s32 @!p2 $0x0  }
0x16: {  	s3 =	sld [smem:$0x3FDB];
	s0 =	simm.s32 @p2 $0x1  }
0x17: {  	s4 =	simm.s32 $0x1BF5;
	[smem:$0x3FB8] =	sst s0  }
0x18: {  	s0 =	sld [smem:$0x3F9B];
	_ =	swait.ge [sflag:s4], $0x0  }
0x19: {  	s7 =	sld [smem:$0x3F9C]  }
0x1a: {  	s8 =	sadd.s32 $0xFFFFE003, lr  }
0x1b: {  	s9 =	sadd.s32 $0xFFFFFEF7, lr;
	s5 =	simm.s32 $0xFFFFFFFF;
	p2 =	slt.u32 s8, $0xFFFFF086  }
0x1c: {  	p1 =	slt.u32 s9, $0xF7A;
	s5 =	simm.s32 @!p2 $0x0  }
0x1d: {  	s5 =	simm.s32 @p1 $0x1;
	p0 =	seq.s32 s7, s2  }
0x1e: {  	s7 =	smul.u32 @!p0 $0xF7A, s2;
	p2 =	seq.s32 @!p0 s5, $0x0  }
0x1f: {  	s9 =	smul.u32 $0xF7A, s1;
	s8 =	simm.s32 @!p0 $0x1BF5;
	p2 =	por !p2, p0  }
0x20: {  	[sflag:s8] =	ssyncset.s32 @!p0 $0xFFFFF086;
	s6 =	sadd.s32 @!p0 s3, s7;
	s7 =	simm.s32 @!p0 $0x108  }
0x21: {  	s3 =	sadd.s32 s3, s9;
	s6 =	sadd.s32 @!p0 $0x88, s6;
	s7 =	simm.s32 @p2 $0x1082  }
0x22: {  	[simem:s7], [sflag:s8] =	dma.local @!p0 [hbm:s6], $0xF7A  }
0x23: {  	s9 =	sor.u32 $0xD0000000, s2;
	s6 =	simm.s32 $0x108;
	_ =	swait.ge @!p0 [sflag:s8], $0x0  }
0x24: {  	s3 =	sadd.s32 $0x88, s3;
	s6 =	simm.s32 @!p1 $0x1082;
	[sflag:s4] =	ssyncset.s32 $0xFFFFF086  }
0x25: {  	[simem:s6], [sflag:s4] =	dma.local [hbm:s3], $0xF7A  }
0x26: {  	[smem:$0x3F9C] =	sst s1;
	(tag) =	ssettag s2;
	_ =	strace s9  }
0x27: {  	s1 =	sld [smem:$0x3FAC]  }
0x28: {  	s2 =	sld [smem:$0x3FAD]  }
0x29: {  	s4 =	sld [smem:$0x3FAF]  }
0x2a: {  	p0 =	seq.s32 s5, $0x0;
	s5 =	sld [smem:$0x3FB0]  }
0x2b: {  	s6 =	sld [smem:$0x3FB1]  }
0x2c: {  	s7 =	sld [smem:$0x3FB2]  }
0x2d: {  	s3 =	simm.s32 $0x108;
	s8 =	sld [smem:$0x3FB3]  }
0x2e: {  	s3 =	simm.s32 @!p0 $0x1082;
	s9 =	sld [smem:$0x3FB4]  }
0x2f: {  	lr =	sadd.s32 s0, s3;
	s0 =	sld [smem:$0x3FAB]  }
0x30: {  	s3 =	sld [smem:$0x3FAE]  }
0x31: {  	[smem:$0x3FB7] =	sst s10  }
0x32: {  	s10 =	sld [smem:$0x3FB5];
	_ =	sdelay $0x3  }
0x33: {  	p0 =	seq.s32 s10, $0x1;
	s10 =	sld [smem:$0x3FB7];
	_ =	sdelay $0x3  }
0x34: {  	[smem:$0x3FB7] =	sst s10  }
0x35: {  	s10 =	sld [smem:$0x3FB6];
	_ =	sdelay $0x3  }
0x36: {  	p1 =	seq.s32 s10, $0x1;
	s10 =	sld [smem:$0x3FB7];
	_ =	sdelay $0x3  }
0x37: {  	[smem:$0x3FB7] =	sst s10  }
0x38: {  	s10 =	sld [smem:$0x3FB8]  }
0x39: {  	_ = 	snop;
	(pc) =	sbr.ind lr, $3  }
0x3a: {  	_ = 	snop  }
0x3b: {  	_ = 	snop  }
0x3c: {  	p2 =	seq.s32 s10, $0x1;
	s10 =	sld [smem:$0x3FB7]  }
0x3d: {  	_ =	shalt  }
0x3e: {  	_ =	shalt  }
0x3f: {  	_ =	shalt  }
0x40: {  	_ =	shalt  }
0x41: {  	_ =	shalt  }
0x42: {  	_ =	shalt  }
0x43: {  	_ =	shalt  }
0x44: {  	_ =	shalt  }
0x45: {  	_ =	shalt  }
0x46: {  	_ =	shalt  }
0x47: {  	_ =	shalt  }
0x48: {  	_ =	shalt  }
0x49: {  	_ =	shalt  }
0x4a: {  	_ =	shalt  }
0x4b: {  	_ =	shalt  }
0x4c: {  	_ =	shalt  }
0x4d: {  	_ =	shalt  }
0x4e: {  	_ =	shalt  }
0x4f: {  	_ =	shalt  }
0x50: {  	_ =	shalt  }
0x51: {  	_ =	shalt  }
0x52: {  	_ =	shalt  }
0x53: {  	_ =	shalt  }
0x54: {  	_ =	shalt  }
0x55: {  	_ =	shalt  }
0x56: {  	_ =	shalt  }
0x57: {  	_ =	shalt  }
0x58: {  	_ =	shalt  }
0x59: {  	_ =	shalt  }
0x5a: {  	_ =	shalt  }
0x5b: {  	_ =	shalt  }
0x5c: {  	_ =	shalt  }
0x5d: {  	_ =	shalt  }
0x5e: {  	_ =	shalt  }
0x5f: {  	_ =	shalt  }
0x60: {  	_ =	shalt  }
0x61: {  	_ =	shalt  }
0x62: {  	_ =	shalt  }
0x63: {  	_ =	shalt  }
0x64: {  	_ =	shalt  }
0x65: {  	_ =	shalt  }
0x66: {  	_ =	shalt  }
0x67: {  	_ =	shalt  }
0x68: {  	_ =	shalt  }
0x69: {  	_ =	shalt  }
0x6a: {  	_ =	shalt  }
0x6b: {  	_ =	shalt  }
0x6c: {  	_ =	shalt  }
0x6d: {  	_ =	shalt  }
0x6e: {  	_ =	shalt  }
0x6f: {  	_ =	shalt  }
0x70: {  	_ =	shalt  }
0x71: {  	_ =	shalt  }
0x72: {  	_ =	shalt  }
0x73: {  	_ =	shalt  }
0x74: {  	_ =	shalt  }
0x75: {  	_ =	shalt  }
0x76: {  	_ =	shalt  }
0x77: {  	_ =	shalt  }
0x78: {  	_ =	shalt  }
0x79: {  	_ =	shalt  }
0x7a: {  	_ =	shalt  }
0x7b: {  	_ =	shalt  }
0x7c: {  	_ =	shalt  }
0x7d: {  	_ =	shalt  }
0x7e: {  	_ =	shalt  }
0x7f: {  	_ =	shalt  }
0x80: {  	_ =	shalt  }
0x81: {  	_ =	shalt  }
0x82: {  	_ =	shalt  }
0x83: {  	_ =	shalt  }
0x84: {  	_ =	shalt  }
0x85: {  	_ =	shalt  }
0x86: {  	_ =	shalt  }
0x87: {  	_ =	shalt  }
.Lfunc_end0:
.L_simem_size_0:
called_computation_lowered:
.L_overlay_start_0:
0x88: {  	s2 =	sld [smem:$0x3FD9]  }
0x89: {  	s3 =	sld [smem:$0x3FFE];
	_ =	sdelay $0x1  }
0x8a: {  	s1 =	srdreg.scid  }
0x8b: {  	s0 =	sand.u32 $0x1, s1  }
0x8c: {  	s17 =	sshll.u32 s0, $0xA;
	s2 =	sadd.s32 s3, s2  }
0x8d: {  	s2 =	sadd.s32 s2, s17  }
0x8e: {  	[smem:$0x3FC3] =	sst s2  }
0x8f: {  	_ = 	snop  }
0x90: {  	s2 =	sld [smem:$0x3FC9]  }
0x91: {  	s18 =	sld [smem:$0x3FC8]  }
0x92: {  	s4 =	sld [smem:$0x3FC7]  }
0x93: {  	s5 =	sld [smem:$0x3FC6]  }
0x94: {  	s6 =	sld [smem:$0x3FC5]  }
0x95: {  	s7 =	sld [smem:$0x3FD0];
	(tm) =	ssettm $0x1  }
0x96: {  	s8 =	sld [smem:$0x3FFB];
	_ =	sdelay $0x3  }
0x97: {  	_ =	strace s8  }
0x98: {  	s8 =	sld [smem:$0x3FFC];
	_ =	sdelay $0x3  }
0x99: {  	_ =	strace s8  }
0x9a: {  	s8 =	sld [smem:$0x3FFD];
	_ =	sdelay $0x3  }
0x9b: {  	_ =	strace s8  }
0x9c: {  	_ =	strace $0x8FFFFFFF  }
0x9d: {  	s19 =	sld [smem:$0x3FDB];
	_ =	sdelay $0x1  }
0x9e: {  	s9 =	simm.s32 $_scs_section_size  }
0x9f: {  	s10 =	simm.s32 $_size__tile_overlayer_lowered;
	s11 =	simm.s32 $_tile_overlayer_lowered  }
0xa0: {  	s22 =	simm.s32 $0x1BFF;
	s21 =	sshll.u32 s11, $0x1;
	s8 =	sadd.s32 s9, s19  }
0xa1: {  	s12 =	simm.s32 $0x0;
	s20 =	sshll.u32 s10, $0x1;
	s10 =	sadd.s32 s21, s8  }
0xa2: {  	[timem:s12], [sflag:s22] =	dma.local [hbm:s10], s20  }
0xa3: {  	_ =	swait.ge [sflag:s22], s20  }
0xa4: {  	s9 =	ssub.s32 $0x0, s20;
	[sflag:s22] =	ssyncset.done $0x0  }
0xa5: {  	[sflag:s22] =	ssyncadd.s32 s9;
	_ =	sdelay $0x1  }
0xa6: {  	s23 =	simm.s32 $0x1B8B  }
0xa7: {  	_ =	swait.ge [sflag:s23], $0x1  }
0xa8: {  	[sflag:s23] =	ssyncset.done $0x0  }
0xa9: {  	s25 =	simm.s32 $0x1B8E;
	s24 =	sld [smem:$0x3FFE];
	[sflag:s23] =	ssyncadd.s32 $0xFFFFFFFF  }
0xaa: {  	s26 =	simm.s32 $execute0_lowered;
	[smem:$0x3FD2] =	sst s25  }
0xab: {  	s10 =	sshll.u32 s26, $0x1;
	_ =	strace $0x80000046;
	[dreg:$0x1] =	wrdreg $0xFFFFFFFF  }
0xac: {  	s28 =	simm.s32 $_size_execute0_lowered;
	s8 =	sadd.s32 s8, s10;
	[dreg:$0x0] =	wrdreg $0x0  }
0xad: {  	s10 =	sshll.u32 s28, $0x1;
	[dreg:$0x2] =	wrdreg s8  }
0xae: {  	[dreg:$0x3] =	wrdreg s10  }
0xaf: {  	[dreg:$0x4] =	wrdreg $0xC0  }
0xb0: {  	_ =	task [dreg:s12], $0x5FFFF  }
0xb1: {  	[dreg:$0x1] =	wrdreg $0xFFFFFFFF  }
0xb2: {  	[dreg:$0x0] =	wrdreg $0x60  }
0xb3: {  	[dreg:$0x2] =	wrdreg s2  }
0xb4: {  	[dreg:$0x3] =	wrdreg s18  }
0xb5: {  	[dreg:$0x4] =	wrdreg s4  }
0xb6: {  	[dreg:$0x5] =	wrdreg s6  }
0xb7: {  	[dreg:$0x6] =	wrdreg s5  }
0xb8: {  	[dreg:$0x7] =	wrdreg s7  }
0xb9: {  	[dreg:$0x8] =	wrdreg s24  }
0xba: {  	[dreg:$0x9] =	wrdreg $0x9  }
0xbb: {  	_ =	task.clear_ibuf [dreg:s12], $0xAFFFF;
	_ =	strace $0x90000046  }
0xbc: {  	s29 =	simm.s32 $0x9;
	_ =	strace $0x80000048  }
0xbd: {  	_ =	swait.ge [sflag:s29], $0x1  }
0xbe: {  	[sflag:s29] =	ssyncadd.s32 $0xFFFFFFFF  }
0xbf: {  	_ =	strace $0x90000048  }
0xc0: {  	_ =	sfence  }
0xc1: {  	s30 =	sld [smem:$0x0];
	_ =	sdelay $0x2  }
0xc2: {  	s31 =	sshll.u32 s1, $0xD;
	s1 =	sshrl.u32 s1, $0x2  }
0xc3: {  	s3 =	sand.u32 $0x4000, s31;
	s1 =	sadd.s32 s1, s30  }
0xc4: {  	s0 =	sor.u32 s3, s0;
	s1 =	sshll.u32 s1, $0x11  }
0xc5: {  	s0 =	sor.u32 s1, s0  }
0xc6: {  	s0 =	sadd.s32 $0x8F2B, s0  }
0xc7: {  	[sflag:s0] =	ssyncadd.remote.s32 $0x1  }
0xc8: {  	_ =	sfence.sel $0xFFFF  }
0xc9: {  	[dreg:$0x0] =	wrdreg $0xFFFFFFFF;
	(pc) =	sbr.abs _section_cstart, $3  }
0xca: {  	[dreg:$0x1] =	wrdreg $0xFFFFFFFF  }
0xcb: {  	_ =	task.clear_ibuf [dreg:s12], $0x2FFFF;
	_ =	strace $0x9FFFFFFF  }
0xcc: {  	(tm) =	ssettm $0x7FFFFFFF  }
0xcd: {  	_ =	shalt  }
tec
execute0_lowered:
.L_overlay_start_1:
0x0: {  	(tag) =	ssettag $0x1  }
0x1: {  	s0 =	rddreg [dreg:$0x0]  }
0x2: {  	s1 =	rddreg [dreg:$0x1]  }
0x3: {  	s3 =	rddreg [dreg:$0x2]  }
0x4: {  	s4 =	rddreg [dreg:$0x3];
	s2 =	srdreg.scid  }
0x5: {  	s5 =	stileid.u32;
	s6 =	rddreg [dreg:$0x6]  }
0x6: {  	s8 =	simm.s32 $0x0;
	s17 =	simm.s32 $0xC380;
	s18 =	simm.s32 $0x3  }
0x7: {  	s23 =	simm.s32 $0xE400;
	s24 =	simm.s32 $0xEC00;
	s25 =	simm.s32 $0xF400  }
0x8: {  	s26 =	simm.s32 $0xFC00;
	s28 =	simm.s32 $0x1;
	s29 =	simm.s32 $0x10400  }
0x9: {  	s30 =	simm.s32 $0x2;
	s2 =	sand.u32 $0x1, s2;
	s5 =	sshll.u32 s5, $0x1  }
0xa: {  	s31 =	simm.s32 $0x0;
	s5 =	sor.u32 s2, s5;
	s2 =	ssub.s32 $0x2, s2  }
0xb: {  	[smem:$0x7FF] =	sst s8;
	s7 =	smul.u32 $0x186A0, s5;
	s9 =	sshrl.u32 s2, $0x1  }
0xc: {  	_ =	strace $0x80000047;
	s5 =	sshll.u32 s5, $0x4;
	s2 =	ssub.s32 s2, s9  }
0xd: {  	s15 =	sadd.s32 s6, s5;
	s12 =	sshrl.u32 s7, $0x3;
	s13 =	sadd.s32 $0x7D0, s7  }
0xe: {  	s14 =	sadd.s32 $0xFA0, s7;
	s16 =	smax.u32 s2, $0x1;
	s9 =	sadd.s32 s1, s12  }
0xf: {  	v0 =	vimm.f32 $0.0e+00;
	s10 =	sadd.s32 s3, s12;
	s11 =	sadd.s32 s0, s12;
	s12 =	sadd.s32 s4, s12  }
.LBB2_1:
0x10: {  	s2 =	rddreg [dreg:$0x5]  }
0x11: {  	[tilespmem:s17], [sflag:$0x3] =	stream.linear.gather [hbm4b:s2+s8], $0x80, $0x38;
	[tilespmem:$0x10480] =	vst v63  }
0x12: {  	_ =	swait.ge [sflag:s18], $0x80  }
0x13: {  	[sflag:s18] =	ssyncset.done $0x0  }
0x14: {  	[sflag:s18] =	ssyncadd.s32 $0xFFFFFF80  }
0x15: {  	s22 =	rddreg [dreg:$0x4]  }
0x16: {  	[tilespmem:s8], [sflag:$0x3] =	stream.linear.gather [hbm4b:s22+s8], $0xC380, $0x38;
	[tilespmem:$0x10480] =	vst v63  }
0x17: {  	_ =	swait.ge [sflag:s18], $0xC380  }
0x18: {  	[sflag:s18] =	ssyncset.done $0x0  }
0x19: {  	s2 =	simm.s32 $0x40;
	[sflag:s18] =	ssyncadd.s32 $0xFFFF3C80  }
0x1a: {  	v14 =	vld [tilespmem:s2+$0x30]  }
0x1b: {  	v7 =	vld [tilespmem:s2+$0xFFFFFFD0]  }
0x1c: {  	v6 =	vld [tilespmem:s2+$0xFFFFFFE0]  }
0x1d: {  	v5 =	vld [tilespmem:s2+$0xFFFFFFF0]  }
0x1e: {  	v4 =	vld [tilespmem:s2+$0x0]  }
0x1f: {  	v3 =	vld [tilespmem:s2+$0x10]  }
0x20: {  	v1 =	vld [tilespmem:s2+$0x20]  }
0x21: {  	v2 =	vld [tilespmem:s2+$0xFFFFFFC0]  }
0x22: {  	v9 =	vld.idx.msk [tilespmem:v14+s17+$0x0], $0xffff  }
0x23: {  	v15 =	vld.idx.msk [tilespmem:v7+s17+$0x0], $0xffff  }
0x24: {  	v13 =	vld.idx.msk [tilespmem:v6+s17+$0x0], $0xffff  }
0x25: {  	v12 =	vld.idx.msk [tilespmem:v5+s17+$0x0], $0xffff  }
0x26: {  	v11 =	vld.idx.msk [tilespmem:v4+s17+$0x0], $0xffff  }
0x27: {  	v10 =	vld.idx.msk [tilespmem:v3+s17+$0x0], $0xffff  }
0x28: {  	v8 =	vld.idx.msk [tilespmem:v1+s17+$0x0], $0xffff;
	v16 =	vand.u32 $0xFFFFFF80, v9  }
0x29: {  	s5 =	simm.s32 $0x0;
	s6 =	simm.s32 $0xC0;
	v9 =	vld.idx.msk [tilespmem:v2+s17+$0x0], $0xffff;
	v15 =	vand.u32 $0xFFFFFF80, v15;
	v14 =	vor.u32 v14, v16  }
.LBB2_2:
0x2a: {  	v16 =	vld [tilespmem:s6+$0x30];
	s5 =	sadd.s32 $0x8, s5;
	v15 =	vor.u32 v7, v15;
	v13 =	vand.u32 $0xFFFFFF80, v13;
	[tilespmem:s2+$0x30] =	vst v14  }
0x2b: {  	v12 =	vand.u32 $0xFFFFFF80, v12;
	v7 =	vld [tilespmem:s6+$0xFFFFFFD0];
	p0 =	slt.u32 s5, $0xC28;
	[tilespmem:s2+$0xFFFFFFD0] =	vst v15;
	v13 =	vor.u32 v6, v13  }
0x2c: {  	v12 =	vor.u32 v5, v12;
	v11 =	vand.u32 $0xFFFFFF80, v11;
	v6 =	vld [tilespmem:s6+$0xFFFFFFE0];
	[tilespmem:s2+$0xFFFFFFE0] =	vst v13  }
0x2d: {  	v11 =	vor.u32 v4, v11;
	v10 =	vand.u32 $0xFFFFFF80, v10;
	v5 =	vld [tilespmem:s6+$0xFFFFFFF0];
	[tilespmem:s2+$0xFFFFFFF0] =	vst v12  }
0x2e: {  	v10 =	vor.u32 v3, v10;
	v8 =	vand.u32 $0xFFFFFF80, v8;
	v4 =	vld [tilespmem:s6+$0x0];
	[tilespmem:s2+$0x0] =	vst v11  }
0x2f: {  	v9 =	vand.u32 $0xFFFFFF80, v9;
	v8 =	vor.u32 v1, v8;
	v3 =	vld [tilespmem:s6+$0x10];
	[tilespmem:s2+$0x10] =	vst v10  }
0x30: {  	v9 =	vor.u32 v2, v9;
	v1 =	vld [tilespmem:s6+$0x20];
	[tilespmem:s2+$0x20] =	vst v8  }
0x31: {  	v2 =	vld [tilespmem:s6+$0xFFFFFFC0];
	[tilespmem:s2+$0xFFFFFFC0] =	vst v9;
	s2 =	smov.u32 s6  }
0x32: {  	v9 =	vld.idx.msk [tilespmem:v16+s17+$0x0], $0xffff  }
0x33: {  	v14 =	vld.idx.msk [tilespmem:v7+s17+$0x0], $0xffff  }
0x34: {  	v13 =	vld.idx.msk [tilespmem:v6+s17+$0x0], $0xffff  }
.Ltmp0:
0x35: {  	v12 =	vld.idx.msk [tilespmem:v5+s17+$0x0], $0xffff;
	(pc) =	sbr.rel @p0 .LBB2_2-.Ltmp0, $4  }
0x36: {  	v11 =	vld.idx.msk [tilespmem:v4+s17+$0x0], $0xffff  }
0x37: {  	v10 =	vld.idx.msk [tilespmem:v3+s17+$0x0], $0xffff  }
0x38: {  	v17 =	vand.u32 $0xFFFFFF80, v9;
	v8 =	vld.idx.msk [tilespmem:v1+s17+$0x0], $0xffff  }
0x39: {  	s6 =	sadd.s32 $0x80, s6;
	v15 =	vand.u32 $0xFFFFFF80, v14;
	v14 =	vor.u32 v16, v17;
	v9 =	vld.idx.msk [tilespmem:v2+s17+$0x0], $0xffff  }
0x3a: {  	v7 =	vor.u32 v7, v15;
	v13 =	vand.u32 $0xFFFFFF80, v13;
	[tilespmem:s2+$0x30] =	vst v14  }
0x3b: {  	v59 =	vand.u32 $0xFFFFFF80, v12;
	[tilespmem:s2+$0xFFFFFFD0] =	vst v7;
	v6 =	vor.u32 v6, v13  }
0x3c: {  	v5 =	vor.u32 v5, v59;
	v60 =	vand.u32 $0xFFFFFF80, v11;
	[tilespmem:s2+$0xFFFFFFE0] =	vst v6  }
0x3d: {  	[tilespmem:s2+$0xFFFFFFF0] =	vst v5;
	v4 =	vor.u32 v4, v60;
	v61 =	vand.u32 $0xFFFFFF80, v10  }
0x3e: {  	[tilespmem:s2+$0x0] =	vst v4;
	v3 =	vor.u32 v3, v61;
	v62 =	vand.u32 $0xFFFFFF80, v8  }
0x3f: {  	v63 =	vand.u32 $0xFFFFFF80, v9;
	[tilespmem:s2+$0x10] =	vst v3;
	v1 =	vor.u32 v1, v62  }
0x40: {  	v2 =	vor.u32 v2, v63;
	[tilespmem:s2+$0x20] =	vst v1  }
0x41: {  	s5 =	simm.s32 $0x0;
	[tilespmem:s2+$0xFFFFFFC0] =	vst v2  }
.LBB2_4:
0x42: {  	s2 =	sshra.s32 s5, $0x2  }
0x43: {  	v1 =	vld [tilespmem:s2+$0xC300];
	_ =	sdelay $0x7  }
0x44: {  	v2 =	vld.idx.msk [tilespmem:v1+s17+$0x0], $0xffff;
	_ =	sdelay $0x1  }
0x45: {  	p0 =	sne.s32 s5, $0x100  }
.Ltmp1:
0x46: {  	_ = 	snop;
	(pc) =	sbr.rel @p0 .LBB2_4-.Ltmp1, $4  }
0x47: {  	_ = 	snop  }
0x48: {  	v2 =	vand.u32 $0xFFFFFF80, v2  }
0x49: {  	v1 =	vor.u32 v1, v2  }
0x4a: {  	s5 =	sadd.s32 $0x40, s5;
	[tilespmem:s2+$0xC300] =	vst v1  }
0x4b: {  	[tilespmem:$0x10400] =	vst v0  }
0x4c: {  	[tilespmem:$0x10410] =	vst v0  }
0x4d: {  	[tilespmem:$0x10420] =	vst v0  }
0x4e: {  	[tilespmem:$0x10430] =	vst v0;
	s6 =	simm.s32 $0x0;
	s2 =	simm.s32 $0xC400  }
0x4f: {  	[tilespmem:s2], [sflag:$0x1] =	stream.linear.gather [hbm4b:s9+s6], $0x7D0, $0x38;
	[tilespmem:$0x10480] =	vst v63  }
0x50: {  	s20 =	simm.s32 $0xCC00  }
0x51: {  	[tilespmem:s20], [sflag:$0x1] =	stream.linear.gather [hbm4b:s10+s6], $0x7D0, $0x38;
	[tilespmem:$0x10480] =	vst v63  }
0x52: {  	s21 =	simm.s32 $0xD400  }
0x53: {  	[tilespmem:s21], [sflag:$0x1] =	stream.linear.gather [hbm4b:s11+s6], $0x7D0, $0x38;
	[tilespmem:$0x10480] =	vst v63  }
0x54: {  	s22 =	simm.s32 $0xDC00  }
0x55: {  	[tilespmem:s22], [sflag:$0x1] =	stream.linear.gather [hbm4b:s12+s6], $0x7D0, $0x38;
	[tilespmem:$0x10480] =	vst v63  }
.LBB2_6:
0x56: {  	s2 =	smul.u32 $0xFA0, s6;
	_ =	sdelay $0x1  }
0x57: {  	s5 =	sadd.s32 s2, s13  }
0x58: {  	s5 =	sshrl.u32 s5, $0x3  }
0x59: {  	s7 =	sadd.s32 s1, s5  }
0x5a: {  	[tilespmem:s23], [sflag:$0x2] =	stream.linear.gather [hbm4b:s7+s8], $0x7D0, $0x38;
	[tilespmem:$0x10480] =	vst v63  }
0x5b: {  	s19 =	sadd.s32 s3, s5  }
0x5c: {  	[tilespmem:s24], [sflag:$0x2] =	stream.linear.gather [hbm4b:s19+s8], $0x7D0, $0x38;
	[tilespmem:$0x10480] =	vst v63  }
0x5d: {  	s20 =	sadd.s32 s0, s5  }
0x5e: {  	[tilespmem:s25], [sflag:$0x2] =	stream.linear.gather [hbm4b:s20+s8], $0x7D0, $0x38;
	[tilespmem:$0x10480] =	vst v63  }
0x5f: {  	s5 =	sadd.s32 s4, s5  }
0x60: {  	[tilespmem:s26], [sflag:$0x2] =	stream.linear.gather [hbm4b:s5+s8], $0x7D0, $0x38;
	[tilespmem:$0x10480] =	vst v63  }
0x61: {  	_ =	swait.ge [sflag:s28], $0x7D0  }
0x62: {  	[sflag:s28] =	ssyncset.done $0x0  }
0x63: {  	[sflag:s28] =	ssyncadd.s32 $0xFFFFF830  }
0x64: {  	_ =	swait.ge [sflag:s28], $0x7D0  }
0x65: {  	[sflag:s28] =	ssyncset.done $0x0  }
0x66: {  	[sflag:s28] =	ssyncadd.s32 $0xFFFFF830  }
0x67: {  	_ =	swait.ge [sflag:s28], $0x7D0  }
0x68: {  	[sflag:s28] =	ssyncset.done $0x0  }
0x69: {  	[sflag:s28] =	ssyncadd.s32 $0xFFFFF830  }
0x6a: {  	_ =	swait.ge [sflag:s28], $0x7D0  }
0x6b: {  	[sflag:s28] =	ssyncset.done $0x0  }
0x6c: {  	s21 =	simm.s32 $0xCC20;
	[sflag:s28] =	ssyncadd.s32 $0xFFFFF830  }
0x6d: {  	s22 =	simm.s32 $0xD420;
	v3 =	vld [tilespmem:s21+$0xFFFFFFE0]  }
0x6e: {  	v2 =	vld [tilespmem:s22+$0xFFFFFFF0]  }
0x6f: {  	v4 =	vld [tilespmem:s21+$0x10]  }
0x70: {  	s19 =	simm.s32 $0xC420;
	v1 =	vld [tilespmem:s22+$0x10]  }
0x71: {  	v5 =	vld [tilespmem:s19+$0xFFFFFFE0]  }
0x72: {  	v6 =	vld [tilespmem:s19+$0x10]  }
0x73: {  	v7 =	vld [tilespmem:s19+$0xFFFFFFF0]  }
0x74: {  	v8 =	vld [tilespmem:s21+$0xFFFFFFF0]  }
0x75: {  	v10 =	vld [tilespmem:s19+$0x0]  }
0x76: {  	v12 =	vld [tilespmem:s21+$0x0];
	v11 =	vadd.f32 $-4.000000000e+00, v2  }
0x77: {  	v21 =	vadd.f32 $-4.000000000e+00, v1;
	v4 =	vld.idx.msk [tilespmem:v4+s8+$0x0], $0xffff  }
0x78: {  	v9 =	vmul.f32 v11, v11;
	v14 =	vld.idx.msk [tilespmem:v3+s8+$0x0], $0xffff  }
0x79: {  	(erf) = vrcp.f32 v2;
	v22 =	vmul.f32 v21, v21;
	v5 =	vld.idx.msk [tilespmem:v5+s8+$0x0], $0xffff  }
0x7a: {  	v13 =	vld.idx.msk [tilespmem:v6+s8+$0x0], $0xffff;
	v3 =	vmul.f32 v9, v11;
	v6 =	vmul.f32 v9, v9  }
0x7b: {  	(erf) = vrcp.f32 v1;
	v30 =	vmul.f32 v22, v22  }
0x7c: {  	v16 =	vld.idx.msk [tilespmem:v7+s8+$0x0], $0xffff;
	v15 =	vmul.f32 $1.000000000e+01, v3;
	v17 =	vmul.f32 $1.500000000e+01, v6  }
0x7d: {  	v9 =	vld.idx.msk [tilespmem:v8+s8+$0x0], $0xffff;
	v7 =	vmul.f32 v6, v11;
	v34 =	vmul.f32 v30, v21  }
0x7e: {  	v3 =	vld [tilespmem:s22+$0xFFFFFFE0];
	v21 =	vmul.f32 v22, v21;
	v30 =	vmul.f32 $1.500000000e+01, v30;
	v8 =	vand.u32 $0x7F, v4  }
0x7f: {  	v6 =	vld.idx.msk [tilespmem:v10+s8+$0x0], $0xffff;
	v11 =	vand.u32 $0xFFFFFF80, v14;
	v18 =	vand.u32 $0xFFFFFF80, v5;
	v19 =	vand.u32 $0x7F, v13  }
0x80: {  	v4 =	vand.u32 $0xFFFFFF80, v4;
	v20 =	vmul.f32 $6.000000000e+00, v7;
	v7 =	vld [tilespmem:s22+$0x0];
	v10 =	vcvt.s32.f32 v8  }
0x81: {  	v18 =	vadd.f32 v11, v18;
	v11 =	vcvt.s32.f32 v19;
	v8 =	vld.idx.msk [tilespmem:v12+s8+$0x0], $0xffff;
	v12 =	vand.u32 $0xFFFFFF80, v13  }
0x82: {  	v13 =	vand.u32 $0xFFFFFF80, v16;
	v19 =	vand.u32 $0xFFFFFF80, v9;
	v4 =	vadd.f32 v4, v12  }
0x83: {  	v21 =	vmul.f32 $1.000000000e+01, v21;
	v12 =	vadd.f32 v19, v13;
	v20 =	vsub.f32 $1.000000000e+00, v20  }
0x84: {  	v18 =	vmul.f32 $2.134319070e+00, v18;
	v13 =	vadd.f32 $-4.000000000e+00, v3;
	v19 =	vand.u32 $0xFFFFFF80, v6  }
0x85: {  	v4 =	vmul.f32 $2.134319070e+00, v4;
	v27 =	vmul.f32 $2.134319070e+00, v12;
	v17 =	vadd.f32 v20, v17  }
0x86: {  	v18 =	vmul.f32 v18, v3;
	v23 =	vadd.f32 $-4.000000000e+00, v7;
	v24 =	vmul.f32 v13, v13  }
0x87: {  	v26 =	vand.u32 $0xFFFFFF80, v8;
	v4 =	vmul.f32 v4, v1;
	v20 =	vmul.f32 v27, v2  }
0x88: {  	v25 =	vmul.f32 $-9.423000210e-01, v18;
	v12 =	vadd.f32 v26, v19;
	v19 =	vmul.f32 v23, v23  }
0x89: {  	v26 =	vmul.f32 $-3.200000050e+00, v18;
	v28 =	vmul.f32 $-4.027999940e-01, v18  }
0x8a: {  	v18 =	vmul.f32 $-2.016000000e-01, v18;
	v38 =	vmul.f32 v24, v24  }
0x8b: {  	v24 =	vmul.f32 v24, v13;
	v29 =	vmul.f32 $-2.016000000e-01, v4  }
0x8c: {  	v31 =	vmul.f32 $-3.200000050e+00, v4;
	v33 =	vmul.f32 $-4.027999940e-01, v4  }
0x8d: {  	v4 =	vmul.f32 $-9.423000210e-01, v4;
	v56 =	vmul.f32 $-9.423000210e-01, v20  }
0x8e: {  	v59 =	vmul.f32 $-2.016000000e-01, v20;
	v12 =	vmul.f32 $2.134319070e+00, v12  }
0x8f: {  	v32 =	vmul.f32 v19, v23;
	v28 =	vmul.f32 $1.442695020e+00, v28  }
0x90: {  	v35 =	vmul.f32 v19, v19;
	v18 =	vmul.f32 $1.442695020e+00, v18  }
0x91: {  	v25 =	vmul.f32 $1.442695020e+00, v25;
	v22 =	vmul.f32 v38, v13  }
0x92: {  	v13 =	vand.u32 $0x7F, v5;
	v5 =	vsub.f32 v17, v15;
	v17 =	vmul.f32 $6.000000000e+00, v34  }
0x93: {  	v24 =	vmul.f32 $1.000000000e+01, v24;
	v4 =	vmul.f32 $1.442695020e+00, v4  }
0x94: {  	v29 =	vmul.f32 $1.442695020e+00, v29;
	v62 =	vmul.f32 $1.442695020e+00, v56  }
0x95: {  	v36 =	vmul.f32 v12, v7;
	v12 =	vmul.f32 $1.442695020e+00, v31  }
0x96: {  	(erf) = vpow2.f32 v4;
	v4 =	vmul.f32 $1.442695020e+00, v33  }
0x97: {  	v19 =	vmul.f32 $-3.200000050e+00, v36;
	(erf) = vpow2.f32 v12  }
0x98: {  	v23 =	vmul.f32 v35, v23;
	(erf) = vpow2.f32 v25  }
0x99: {  	(erf) = vpow2.f32 v4;
	v4 =	vmul.f32 $1.442695020e+00, v19  }
0x9a: {  	v15 =	vand.u32 $0x7F, v14;
	v55 =	vmul.f32 $1.000000000e+01, v32;
	v37 =	vmul.f32 $-9.423000210e-01, v36  }
0x9b: {  	v17 =	vsub.f32 $1.000000000e+00, v17;
	v58 =	vmul.f32 $1.500000000e+01, v35;
	v53 =	vmul.f32 $-4.027999940e-01, v36  }
0x9c: {  	v12 =	vand.u32 $0x7F, v16;
	v16 =	vmul.f32 $6.000000000e+00, v22;
	v19 =	vmul.f32 $1.442695020e+00, v37  }
0x9d: {  	v14 =	vmax.f32 v5, $0.0e+00;
	v22 =	vmul.f32 $1.500000000e+01, v38;
	(erf) = vpow2.f32 v4;
	v4 =	vpop (erf)  }
0x9e: {  	v17 =	vadd.f32 v17, v30;
	v23 =	vmul.f32 $6.000000000e+00, v23;
	v5 =	vpop (erf);
	(erf) = vpow2.f32 v19  }
0x9f: {  	v25 =	vmul.f32 $1.442695020e+00, v26;
	v26 =	vmul.f32 $-3.200000050e+00, v20;
	v16 =	vsub.f32 $1.000000000e+00, v16  }
0xa0: {  	v27 =	vmul.f32 $1.442695020e+00, v53;
	v23 =	vsub.f32 $1.000000000e+00, v23;
	v19 =	vpop (erf);
	(erf) = vpow2.f32 v29  }
0xa1: {  	v21 =	vsub.f32 v17, v21;
	v16 =	vadd.f32 v16, v22;
	(erf) = vpow2.f32 v28;
	v54 =	vpop (erf)  }
0xa2: {  	v23 =	vadd.f32 v23, v58;
	v22 =	vmul.f32 $5.098999740e-01, v19;
	(erf) = vpow2.f32 v18;
	v19 =	vpop (erf)  }
0xa3: {  	v63 =	vmul.f32 $1.442695020e+00, v59;
	v17 =	vpop (erf);
	(erf) = vpow2.f32 v27  }
0xa4: {  	v26 =	vmul.f32 $1.442695020e+00, v26;
	v23 =	vsub.f32 v23, v55;
	v18 =	vsub.f32 v16, v24  }
0xa5: {  	v24 =	vmul.f32 $-2.016000000e-01, v36;
	v16 =	vmax.f32 v21, $0.0e+00;
	v27 =	vmul.f32 $-4.027999940e-01, v20  }
0xa6: {  	v28 =	vmul.f32 $1.817999930e-01, v54;
	v57 =	vmin.f32 v16, $1.000000000e+00;
	(erf) = vpow2.f32 v26;
	v21 =	vpop (erf)  }
0xa7: {  	v16 =	vmin.f32 v14, $1.000000000e+00;
	v14 =	vmul.f32 $1.389354610e+03, v57;
	v27 =	vmul.f32 $1.442695020e+00, v27;
	v20 =	vpop (erf)  }
0xa8: {  	v23 =	vmax.f32 v23, $0.0e+00;
	(erf) = vpow2.f32 v25;
	v26 =	vmul.f32 $5.098999740e-01, v20  }
0xa9: {  	v18 =	vmax.f32 v18, $0.0e+00;
	v60 =	vmul.f32 $1.442695020e+00, v24;
	(erf) = vpow2.f32 v27;
	v61 =	vpop (erf)  }
0xaa: {  	v18 =	vmin.f32 v18, $1.000000000e+00;
	v21 =	vmul.f32 $1.817999930e-01, v21;
	(erf) = vpow2.f32 v62;
	v24 =	vpop (erf)  }
0xab: {  	v18 =	vmul.f32 $1.389354610e+03, v18;
	v20 =	vadd.f32 v22, v28;
	(erf) = vpow2.f32 v60;
	v22 =	vpop (erf)  }
0xac: {  	s7 =	simm.s32 $0xDC20;
	s20 =	simm.s32 $0xD460;
	s5 =	simm.s32 $0xDC20;
	v25 =	vadd.f32 v26, v21;
	v21 =	vmul.f32 $2.817000080e-02, v61;
	v22 =	vmul.f32 $2.817000080e-02, v22;
	v26 =	vpop (erf)  }
0xad: {  	s19 =	simm.s32 $0x0;
	s21 =	simm.s32 $0xCC60;
	s22 =	simm.s32 $0xC460;
	v23 =	vmin.f32 v23, $1.000000000e+00;
	(erf) = vpow2.f32 v63;
	v26 =	vmul.f32 $2.802000050e-01, v26  }
.LBB2_7:
0xae: {  	v27 =	vld [tilespmem:s21+$0xFFFFFFE0];
	s19 =	sadd.s32 $0x4, s19;
	v12 =	vcvt.s32.f32 v12;
	v28 =	vmul.f32 v10, v11;
	s7 =	sadd.s32 $0x40, s7  }
0xaf: {  	v11 =	vcvt.s32.f32 v13;
	v13 =	vcvt.s32.f32 v15;
	v10 =	vld [tilespmem:s20+$0xFFFFFFF0];
	p0 =	slt.u32 s19, $0x78;
	v15 =	vadd.f32 v25, v26;
	v25 =	vpop (erf)  }
0xb0: {  	vm0 =	vlt.f32 v2, $5.000000000e+00;
	v26 =	vld [tilespmem:s20+$0x10];
	(erf) = vrcp.f32 v7  }
0xb1: {  	v2 =	vand.u32 $0x7F, v9;
	v11 =	vmul.f32 v13, v11;
	v9 =	vmul.f32 $1.817999930e-01, v25;
	v29 =	vld [tilespmem:s21+$0x10]  }
0xb2: {  	vm1 =	vlt.f32 v1, $5.000000000e+00;
	v33 =	vcvt.s32.f32 v2;
	v13 =	vld [tilespmem:s22+$0x10];
	v1 =	vpop (erf);
	(erf) = vrcp.f32 v3  }
0xb3: {  	v16 =	vmul.f32 $1.389354610e+03, v16;
	v8 =	vand.u32 $0x7F, v8;
	v25 =	vld [tilespmem:s22+$0xFFFFFFE0];
	v1 =	vmul.f32 $1.817999930e-01, v1;
	v30 =	vpop (erf)  }
0xb4: {  	v12 =	vmul.f32 v33, v12;
	v31 =	vld [tilespmem:s22+$0xFFFFFFF0];
	v32 =	vadd.f32 $-4.000000000e+00, v10;
	(erf) = vrcp.f32 v10;
	v2 =	vpop (erf)  }
0xb5: {  	v19 =	vmul.f32 $5.098999740e-01, v19;
	vm2 =	vlt.f32 v7, $5.000000000e+00;
	v37 =	vmul.f32 $5.098999740e-01, v2;
	v7 =	vpop (erf)  }
0xb6: {  	v6 =	vand.u32 $0x7F, v6;
	v33 =	vld [tilespmem:s21+$0xFFFFFFF0];
	v34 =	vmul.f32 v32, v32;
	v7 =	vmul.f32 $2.817000080e-02, v7;
	v35 =	vpop (erf)  }
0xb7: {  	v24 =	vmul.f32 $2.802000050e-01, v24;
	v19 =	vadd.f32 v19, v1;
	v2 =	vmovc v10;
	v36 =	vld [tilespmem:s22+$0x0];
	v9 =	vadd.f32 v37, v9;
	v1 =	vmovc v26  }
0xb8: {  	v10 =	vmul.f32 v34, v32;
	v26 =	vld [tilespmem:s21+$0x0];
	v7 =	vadd.f32 v15, v7;
	v15 =	vmul.f32 $2.802000050e-01, v17  }
0xb9: {  	v19 =	vadd.f32 v19, v24;
	v24 =	vmul.f32 $2.802000050e-01, v30;
	v17 =	vmul.f32 v34, v34;
	v29 =	vld.idx.msk [tilespmem:v29+s8+$0x0], $0xffff;
	v30 =	vpop (erf)  }
0xba: {  	v27 =	vld.idx.msk [tilespmem:v27+s8+$0x0], $0xffff;
	v34 =	vmul.f32 $1.000000000e+01, v10;
	v10 =	vmul.f32 $2.817000080e-02, v35;
	v15 =	vadd.f32 v20, v15  }
0xbb: {  	v6 =	vcvt.s32.f32 v6;
	v8 =	vcvt.s32.f32 v8;
	v19 =	vadd.f32 v19, v22;
	v20 =	vld.idx.msk [tilespmem:v25+s8+$0x0], $0xffff;
	v22 =	vpop (erf)  }
0xbc: {  	v23 =	vmul.f32 $1.389354610e+03, v23;
	v9 =	vadd.f32 v9, v24;
	v25 =	vmul.f32 $1.500000000e+01, v17;
	v13 =	vld.idx.msk [tilespmem:v13+s8+$0x0], $0xffff  }
0xbd: {  	vm3 =	vlt.f32 v3, $5.000000000e+00;
	v3 =	vmul.f32 v8, v6;
	v18 =	vmul.f32 v19, v18;
	v24 =	vpop (erf);
	v35 =	vld [tilespmem:s5+$0xFFFFFFE0]  }
0xbe: {  	v7 =	vmul.f32 v7, v23;
	v8 =	vadd.f32 v9, v10;
	v10 =	vadd.f32 v15, v21;
	v19 =	vld.idx.msk [tilespmem:v31+s8+$0x0], $0xffff  }
0xbf: {  	v15 =	vmul.f32 v17, v32;
	v11 =	vmul.f32 v18, v11;
	v17 =	vand.u32 $0x7F, v29;
	v9 =	vld.idx.msk [tilespmem:v33+s8+$0x0], $0xffff  }
0xc0: {  	v7 =	vmul.f32 v7, v3;
	v18 =	vand.u32 $0xFFFFFF80, v29;
	v16 =	vmul.f32 v8, v16;
	v6 =	vld.idx.msk [tilespmem:v36+s8+$0x0], $0xffff  }
0xc1: {  	v14 =	vmul.f32 v10, v14;
	v21 =	vand.u32 $0xFFFFFF80, v27;
	v8 =	vld.idx.msk [tilespmem:v26+s8+$0x0], $0xffff;
	(erf) = vrcp.f32 v1  }
0xc2: {  	v10 =	vcvt.s32.f32 v17;
	v17 =	vmul.f32 v11, v22;
	v23 =	vand.u32 $0x7F, v13;
	v22 =	vld [tilespmem:s5+$0x0]  }
0xc3: {  	v15 =	vmul.f32 $6.000000000e+00, v15;
	v13 =	vand.u32 $0xFFFFFF80, v13;
	v11 =	vcvt.s32.f32 v23;
	v3 =	vld [tilespmem:s20+$0xFFFFFFE0]  }
0xc4: {  	v14 =	vmul.f32 v14, v28;
	v23 =	vand.u32 $0xFFFFFF80, v20;
	v26 =	vand.u32 $0xFFFFFF80, v19;
	v29 =	vld [tilespmem:s5+$0x10]  }
0xc5: {  	v30 =	vmul.f32 v7, v30;
	v21 =	vadd.f32 v21, v23;
	v23 =	vand.u32 $0xFFFFFF80, v9;
	v28 =	vld [tilespmem:s5+$0xFFFFFFF0];
	s5 =	smov.u32 s7  }
0xc6: {  	v12 =	vmul.f32 v16, v12;
	v23 =	vadd.f32 v23, v26;
	v26 =	vand.u32 $0xFFFFFF80, v6;
	v7 =	vld [tilespmem:s20+$0x0]  }
0xc7: {  	v31 =	vadd.f32 $-4.000000000e+00, v1;
	v17 =	vnsel vm3, $0x0, v17;
	v16 =	vand.u32 $0xFFFFFF80, v8  }
0xc8: {  	v14 =	vmul.f32 v14, v5;
	v21 =	vmul.f32 $2.134319070e+00, v21;
	v32 =	vadd.f32 $-4.000000000e+00, v3;
	[tilespmem:v35+s29+$0x0] =	vst.idx.add.f32.msk $0xffff, v17  }
0xc9: {  	v13 =	vadd.f32 v18, v13;
	v16 =	vadd.f32 v16, v26;
	v17 =	vmul.f32 v31, v31  }
0xca: {  	v12 =	vmul.f32 v12, v4;
	v26 =	vnsel vm2, $0x0, v30;
	v18 =	vmul.f32 v21, v3;
	v5 =	vpop (erf)  }
0xcb: {  	v4 =	vmovc v24;
	v13 =	vmul.f32 $2.134319070e+00, v13;
	v14 =	vnsel vm1, $0x0, v14;
	v21 =	vadd.f32 $-4.000000000e+00, v7;
	[tilespmem:v22+s29+$0x0] =	vst.idx.add.f32.msk $0xffff, v26  }
0xcc: {  	v15 =	vsub.f32 $1.000000000e+00, v15;
	v24 =	vnsel vm0, $0x0, v12;
	v22 =	vmul.f32 v32, v32;
	[tilespmem:v29+s29+$0x0] =	vst.idx.add.f32.msk $0xffff, v14  }
0xcd: {  	v12 =	vand.u32 $0x7F, v19;
	v19 =	vmul.f32 $2.134319070e+00, v23;
	v14 =	vmul.f32 $-9.423000210e-01, v18;
	[tilespmem:v28+s29+$0x0] =	vst.idx.add.f32.msk $0xffff, v24  }
0xce: {  	v15 =	vadd.f32 v15, v25;
	v23 =	vmul.f32 v21, v21;
	v24 =	vmul.f32 v13, v1  }
0xcf: {  	v25 =	vmul.f32 $-4.027999940e-01, v18;
	v13 =	vand.u32 $0x7F, v20;
	v20 =	vmul.f32 $-3.200000050e+00, v18  }
0xd0: {  	v26 =	vsub.f32 v15, v34;
	v29 =	vmul.f32 v17, v17;
	v28 =	vmul.f32 $-2.016000000e-01, v24  }
0xd1: {  	v15 =	vand.u32 $0x7F, v27;
	v27 =	vmul.f32 $2.134319070e+00, v16;
	v30 =	vmul.f32 $-3.200000050e+00, v24  }
0xd2: {  	v16 =	vmax.f32 v26, $0.0e+00;
	v26 =	vmul.f32 v23, v21;
	v33 =	vmul.f32 $-4.027999940e-01, v24  }
0xd3: {  	v25 =	vmul.f32 $1.442695020e+00, v25;
	v16 =	vmin.f32 v16, $1.000000000e+00;
	v34 =	vmul.f32 v29, v31  }
0xd4: {  	v18 =	vmul.f32 $-2.016000000e-01, v18;
	v23 =	vmul.f32 v23, v23  }
0xd5: {  	v27 =	vmul.f32 v27, v7;
	v24 =	vmul.f32 $-9.423000210e-01, v24  }
0xd6: {  	v18 =	vmul.f32 $1.442695020e+00, v18;
	v21 =	vmul.f32 v23, v21  }
0xd7: {  	v35 =	vmul.f32 $-3.200000050e+00, v27;
	v30 =	vmul.f32 $1.442695020e+00, v30  }
0xd8: {  	v36 =	vmul.f32 $-4.027999940e-01, v27;
	v24 =	vmul.f32 $1.442695020e+00, v24  }
0xd9: {  	v14 =	vmul.f32 $1.442695020e+00, v14;
	v37 =	vmul.f32 $-9.423000210e-01, v27  }
0xda: {  	v38 =	vmul.f32 v22, v22;
	(erf) = vpow2.f32 v24  }
0xdb: {  	v17 =	vmul.f32 v17, v31;
	v24 =	vmul.f32 $1.442695020e+00, v33  }
0xdc: {  	v31 =	vmul.f32 v38, v32;
	(erf) = vpow2.f32 v30  }
0xdd: {  	v22 =	vmul.f32 v22, v32;
	(erf) = vpow2.f32 v14  }
0xde: {  	v14 =	vmul.f32 $6.000000000e+00, v31;
	(erf) = vpow2.f32 v24  }
0xdf: {  	v30 =	vmul.f32 $1.442695020e+00, v37;
	v24 =	vmul.f32 $1.442695020e+00, v35  }
0xe0: {  	v31 =	vmul.f32 v19, v2;
	v19 =	vmul.f32 $6.000000000e+00, v34;
	v14 =	vsub.f32 $1.000000000e+00, v14  }
0xe1: {  	v34 =	vmul.f32 $1.500000000e+01, v38;
	(erf) = vpow2.f32 v24  }
0xe2: {  	v33 =	vmul.f32 $1.442695020e+00, v20;
	v20 =	vmul.f32 $-3.200000050e+00, v31;
	v19 =	vsub.f32 $1.000000000e+00, v19  }
0xe3: {  	v29 =	vmul.f32 $1.500000000e+01, v29;
	v14 =	vadd.f32 v14, v34;
	v24 =	vmul.f32 $1.442695020e+00, v36;
	v32 =	vpop (erf)  }
0xe4: {  	v22 =	vmul.f32 $1.000000000e+01, v22;
	v28 =	vmul.f32 $1.442695020e+00, v28  }
0xe5: {  	v29 =	vadd.f32 v19, v29;
	v34 =	vmul.f32 $1.000000000e+01, v17;
	(erf) = vpow2.f32 v30;
	v30 =	vpop (erf)  }
0xe6: {  	v32 =	vmul.f32 $5.098999740e-01, v32;
	v19 =	vpop (erf);
	(erf) = vpow2.f32 v28  }
0xe7: {  	v14 =	vsub.f32 v14, v22;
	v22 =	vsub.f32 v29, v34;
	(erf) = vpow2.f32 v25;
	v17 =	vpop (erf)  }
0xe8: {  	v26 =	vmul.f32 $1.000000000e+01, v26;
	(erf) = vpow2.f32 v18  }
0xe9: {  	v21 =	vmul.f32 $6.000000000e+00, v21;
	v14 =	vmax.f32 v14, $0.0e+00;
	v18 =	vmul.f32 $-2.016000000e-01, v27  }
0xea: {  	v20 =	vmul.f32 $1.442695020e+00, v20;
	v22 =	vmax.f32 v22, $0.0e+00;
	v25 =	vmul.f32 $1.817999930e-01, v30;
	v27 =	vpop (erf)  }
0xeb: {  	v28 =	vmul.f32 $-9.423000210e-01, v31;
	v22 =	vmin.f32 v22, $1.000000000e+00;
	(erf) = vpow2.f32 v24  }
0xec: {  	v24 =	vmin.f32 v14, $1.000000000e+00;
	v27 =	vmul.f32 $1.817999930e-01, v27;
	v14 =	vmul.f32 $1.389354610e+03, v22  }
0xed: {  	v23 =	vmul.f32 $1.500000000e+01, v23;
	v21 =	vsub.f32 $1.000000000e+00, v21;
	v22 =	vmul.f32 $-4.027999940e-01, v31  }
0xee: {  	v29 =	vmul.f32 $-2.016000000e-01, v31;
	(erf) = vpow2.f32 v20;
	v20 =	vpop (erf)  }
0xef: {  	v31 =	vmul.f32 $1.442695020e+00, v18;
	v30 =	vmul.f32 $5.098999740e-01, v20;
	v20 =	vadd.f32 v32, v25;
	v32 =	vpop (erf)  }
0xf0: {  	v21 =	vadd.f32 v21, v23;
	v18 =	vmul.f32 $1.389354610e+03, v24;
	v22 =	vmul.f32 $1.442695020e+00, v22;
	v24 =	vpop (erf)  }
.Ltmp2:
0xf1: {  	v23 =	vmul.f32 $1.442695020e+00, v28;
	v25 =	vadd.f32 v30, v27;
	(erf) = vpow2.f32 v33;
	v27 =	vpop (erf);
	(pc) =	sbr.rel @p0 .LBB2_7-.Ltmp2, $4  }
0xf2: {  	v21 =	vsub.f32 v21, v26;
	v28 =	vmul.f32 $1.442695020e+00, v29;
	(erf) = vpow2.f32 v22  }
0xf3: {  	v22 =	vmul.f32 $2.817000080e-02, v27;
	(erf) = vpow2.f32 v23  }
0xf4: {  	v23 =	vmax.f32 v21, $0.0e+00;
	v21 =	vmul.f32 $2.817000080e-02, v32;
	v26 =	vpop (erf);
	(erf) = vpow2.f32 v31  }
0xf5: {  	s22 =	sadd.s32 $0x40, s22;
	s21 =	sadd.s32 $0x40, s21;
	s20 =	sadd.s32 $0x40, s20;
	v23 =	vmin.f32 v23, $1.000000000e+00;
	v26 =	vmul.f32 $2.802000050e-01, v26;
	(erf) = vpow2.f32 v28  }
0xf6: {  	v15 =	vcvt.s32.f32 v15;
	_ =	sdelay $0x1  }
0xf7: {  	v13 =	vcvt.s32.f32 v13;
	v12 =	vcvt.s32.f32 v12  }
0xf8: {  	v10 =	vmul.f32 v10, v11;
	(erf) = vrcp.f32 v7;
	v11 =	vpop (erf)  }
0xf9: {  	v9 =	vand.u32 $0x7F, v9;
	v19 =	vmul.f32 $5.098999740e-01, v19;
	v13 =	vmul.f32 v15, v13;
	v15 =	vpop (erf)  }
0xfa: {  	v6 =	vand.u32 $0x7F, v6;
	v17 =	vmul.f32 $2.802000050e-01, v17;
	v15 =	vmul.f32 $1.817999930e-01, v15  }
0xfb: {  	v9 =	vcvt.s32.f32 v9;
	v25 =	vadd.f32 v25, v26;
	(erf) = vrcp.f32 v3;
	v27 =	vpop (erf)  }
0xfc: {  	v6 =	vcvt.s32.f32 v6;
	v26 =	vpop (erf);
	v15 =	vadd.f32 v19, v15;
	v19 =	vmul.f32 $2.802000050e-01, v24  }
0xfd: {  	v8 =	vand.u32 $0x7F, v8;
	v11 =	vmul.f32 $1.817999930e-01, v11;
	v26 =	vmul.f32 $5.098999740e-01, v26;
	v28 =	vpop (erf)  }
0xfe: {  	v8 =	vcvt.s32.f32 v8;
	v24 =	vmul.f32 $2.817000080e-02, v28;
	v15 =	vadd.f32 v15, v19  }
0xff: {  	v17 =	vadd.f32 v20, v17;
	v20 =	vmul.f32 $1.389354610e+03, v23;
	v11 =	vadd.f32 v26, v11  }
0x100: {  	v52 =	vpop (erf);
	v19 =	vadd.f32 v25, v24;
	v24 =	vmul.f32 $2.802000050e-01, v27;
	v15 =	vadd.f32 v15, v22  }
0x101: {  	v9 =	vmul.f32 v9, v12;
	v25 =	vmul.f32 $2.817000080e-02, v52  }
0x102: {  	v22 =	vld [tilespmem:s5+$0xFFFFFFE0];
	v11 =	vadd.f32 v11, v24;
	v12 =	vmul.f32 v15, v18;
	v15 =	vadd.f32 v17, v21  }
0x103: {  	v16 =	vmul.f32 $1.389354610e+03, v16;
	v17 =	vld [tilespmem:s5+$0x0]  }
0x104: {  	v6 =	vmul.f32 v8, v6;
	v18 =	vld [tilespmem:s5+$0x10];
	v8 =	vadd.f32 v11, v25;
	v11 =	vmul.f32 v19, v20  }
0x105: {  	v19 =	vpop (erf);
	v12 =	vmul.f32 v12, v13;
	v13 =	vmul.f32 v15, v14;
	v14 =	vld [tilespmem:s5+$0xFFFFFFF0]  }
0x106: {  	v8 =	vmul.f32 v8, v16;
	v6 =	vmul.f32 v11, v6;
	v15 =	vpop (erf)  }
0x107: {  	v10 =	vmul.f32 v13, v10;
	v11 =	vmul.f32 v12, v15  }
0x108: {  	vm0 =	vlt.f32 v3, $5.000000000e+00;
	v3 =	vmul.f32 v6, v19;
	v6 =	vmul.f32 v8, v9  }
0x109: {  	vm1 =	vlt.f32 v7, $5.000000000e+00;
	v5 =	vmul.f32 v10, v5;
	v7 =	vnsel vm0, $0x0, v11  }
0x10a: {  	vm13 =	vlt.f32 v1, $5.000000000e+00;
	v1 =	vmul.f32 v6, v4;
	v3 =	vnsel vm1, $0x0, v3;
	[tilespmem:v22+s29+$0x0] =	vst.idx.add.f32.msk $0xffff, v7  }
0x10b: {  	vm14 =	vlt.f32 v2, $5.000000000e+00;
	[tilespmem:v17+s29+$0x0] =	vst.idx.add.f32.msk $0xffff, v3;
	v2 =	vnsel vm13, $0x0, v5  }
0x10c: {  	v1 =	vnsel vm14, $0x0, v1;
	[tilespmem:v18+s29+$0x0] =	vst.idx.add.f32.msk $0xffff, v2  }
0x10d: {  	[tilespmem:v14+s29+$0x0] =	vst.idx.add.f32.msk $0xffff, v1  }
0x10e: {  	v1 =	vld [tilespmem:$0xCBC0]  }
0x10f: {  	v2 =	vld [tilespmem:$0xD3C0];
	_ =	sdelay $0x6  }
0x110: {  	v1 =	vld.idx.msk [tilespmem:v1+s8+$0x0], $0xffff  }
0x111: {  	v2 =	vld.idx.msk [tilespmem:v2+s8+$0x0], $0xffff;
	_ =	sdelay $0x4  }
0x112: {  	v3 =	vld [tilespmem:$0xDBC0];
	v4 =	vand.u32 $0xFFFFFF80, v1;
	v5 =	vand.u32 $0xFFFFFF80, v2  }
0x113: {  	v4 =	vadd.f32 v5, v4;
	_ =	sdelay $0x1  }
0x114: {  	v4 =	vmul.f32 $2.134319070e+00, v4;
	_ =	sdelay $0x1  }
0x115: {  	v4 =	vmul.f32 v4, v3;
	_ =	sdelay $0x1  }
0x116: {  	v5 =	vmul.f32 $-3.200000050e+00, v4;
	_ =	sdelay $0x1  }
0x117: {  	v6 =	vmul.f32 $-9.423000210e-01, v4;
	v5 =	vmul.f32 $1.442695020e+00, v5;
	_ =	sdelay $0x1  }
0x118: {  	v6 =	vmul.f32 $1.442695020e+00, v6;
	(erf) = vpow2.f32 v5  }
0x119: {  	v7 =	vmul.f32 $-4.027999940e-01, v4;
	v5 =	vadd.f32 $-4.000000000e+00, v3  }
0x11a: {  	v4 =	vmul.f32 $-2.016000000e-01, v4;
	(erf) = vpow2.f32 v6  }
0x11b: {  	v6 =	vmul.f32 $1.442695020e+00, v7;
	v7 =	vmul.f32 v5, v5  }
0x11c: {  	v4 =	vmul.f32 $1.442695020e+00, v4  }
0x11d: {  	(erf) = vpow2.f32 v6;
	v6 =	vmul.f32 v7, v7;
	_ =	sdelay $0x1  }
0x11e: {  	(erf) = vpow2.f32 v4;
	v4 =	vmul.f32 v6, v5;
	_ =	sdelay $0x1  }
0x11f: {  	v4 =	vmul.f32 $-6.000000000e+00, v4;
	v8 =	vpop (erf)  }
0x120: {  	v5 =	vmul.f32 v7, v5;
	v7 =	vmul.f32 $1.817999930e-01, v8  }
0x121: {  	v6 =	vmul.f32 $1.500000000e+01, v6;
	v9 =	vpop (erf);
	v4 =	vadd.f32 $1.000000000e+00, v4  }
0x122: {  	v5 =	vmul.f32 $-1.000000000e+01, v5;
	v8 =	vmul.f32 $5.098999740e-01, v9  }
0x123: {  	v4 =	vadd.f32 v4, v6  }
0x124: {  	v6 =	vadd.f32 v8, v7;
	v7 =	vpop (erf)  }
0x125: {  	(erf) = vrcp.f32 v3;
	v4 =	vadd.f32 v5, v4;
	v7 =	vmul.f32 $2.802000050e-01, v7  }
0x126: {  	v1 =	vand.u32 $0x7F, v1;
	v5 =	vpop (erf)  }
0x127: {  	v5 =	vmul.f32 $2.817000080e-02, v5;
	v4 =	vmax.f32 v4, $0.0e+00;
	v6 =	vadd.f32 v6, v7  }
0x128: {  	v2 =	vand.u32 $0x7F, v2;
	v1 =	vcvt.s32.f32 v1;
	v4 =	vmin.f32 v4, $1.000000000e+00  }
0x129: {  	v2 =	vcvt.s32.f32 v2;
	v4 =	vmul.f32 $1.389354610e+03, v4;
	v5 =	vadd.f32 v6, v5  }
0x12a: {  	v6 =	vld [tilespmem:$0xE3C0]  }
0x12b: {  	v1 =	vmul.f32 v2, v1;
	v4 =	vmul.f32 v5, v4;
	_ =	sdelay $0x1  }
0x12c: {  	v1 =	vmul.f32 v4, v1  }
0x12d: {  	v2 =	vpop (erf)  }
0x12e: {  	p0 =	seq.s32 s6, $0x18;
	v1 =	vmul.f32 v1, v2  }
0x12f: {  	s2 =	sadd.s32 @!p0 s2, s14;
	vm15 =	vlt.f32 v3, $5.000000000e+00  }
0x130: {  	s2 =	sshrl.u32 @!p0 s2, $0x3;
	v1 =	vnsel vm15, $0x0, v1  }
0x131: {  	s7 =	simm.s32 @!p0 $0x0;
	s19 =	simm.s32 @!p0 $0xC400;
	s5 =	sadd.s32 @!p0 s1, s2;
	[tilespmem:v6+s29+$0x0] =	vst.idx.add.f32.msk $0xffff, v1  }
0x132: {  	[tilespmem:s19], [sflag:$0x1] =	stream.linear.gather @!p0 [hbm4b:s5+s7], $0x7D0, $0x38;
	[tilespmem:$0x10480] =	vst v63  }
0x133: {  	s5 =	sadd.s32 @!p0 s3, s2;
	s19 =	simm.s32 @!p0 $0xCC00  }
0x134: {  	[tilespmem:s19], [sflag:$0x1] =	stream.linear.gather @!p0 [hbm4b:s5+s7], $0x7D0, $0x38;
	[tilespmem:$0x10480] =	vst v63  }
0x135: {  	s5 =	sadd.s32 @!p0 s0, s2;
	s19 =	simm.s32 @!p0 $0xD400  }
0x136: {  	[tilespmem:s19], [sflag:$0x1] =	stream.linear.gather @!p0 [hbm4b:s5+s7], $0x7D0, $0x38;
	[tilespmem:$0x10480] =	vst v63  }
0x137: {  	s2 =	sadd.s32 @!p0 s4, s2;
	s5 =	simm.s32 @!p0 $0xDC00  }
0x138: {  	[tilespmem:s5], [sflag:$0x1] =	stream.linear.gather @!p0 [hbm4b:s2+s7], $0x7D0, $0x38;
	[tilespmem:$0x10480] =	vst v63  }
0x139: {  	_ =	swait.ge [sflag:s30], $0x7D0  }
0x13a: {  	[sflag:s30] =	ssyncset.done $0x0  }
0x13b: {  	[sflag:s30] =	ssyncadd.s32 $0xFFFFF830  }
0x13c: {  	_ =	swait.ge [sflag:s30], $0x7D0  }
0x13d: {  	[sflag:s30] =	ssyncset.done $0x0  }
0x13e: {  	[sflag:s30] =	ssyncadd.s32 $0xFFFFF830  }
0x13f: {  	_ =	swait.ge [sflag:s30], $0x7D0  }
0x140: {  	[sflag:s30] =	ssyncset.done $0x0  }
0x141: {  	[sflag:s30] =	ssyncadd.s32 $0xFFFFF830  }
0x142: {  	_ =	swait.ge [sflag:s30], $0x7D0  }
0x143: {  	[sflag:s30] =	ssyncset.done $0x0  }
0x144: {  	s20 =	simm.s32 $0xEC20;
	[sflag:s30] =	ssyncadd.s32 $0xFFFFF830  }
0x145: {  	s21 =	simm.s32 $0xF420;
	v3 =	vld [tilespmem:s20+$0xFFFFFFE0]  }
0x146: {  	v2 =	vld [tilespmem:s21+$0xFFFFFFF0]  }
0x147: {  	v4 =	vld [tilespmem:s20+$0x10]  }
0x148: {  	s22 =	simm.s32 $0xE420;
	v1 =	vld [tilespmem:s21+$0x10]  }
0x149: {  	v5 =	vld [tilespmem:s22+$0xFFFFFFE0]  }
0x14a: {  	v6 =	vld [tilespmem:s22+$0x10]  }
0x14b: {  	v8 =	vld [tilespmem:s20+$0xFFFFFFF0]  }
0x14c: {  	v7 =	vld [tilespmem:s22+$0xFFFFFFF0]  }
0x14d: {  	v9 =	vld [tilespmem:s22+$0x0]  }
0x14e: {  	v12 =	vld [tilespmem:s20+$0x0];
	v10 =	vadd.f32 $-4.000000000e+00, v2  }
0x14f: {  	v21 =	vadd.f32 $-4.000000000e+00, v1;
	v4 =	vld.idx.msk [tilespmem:v4+s8+$0x0], $0xffff  }
0x150: {  	v11 =	vmul.f32 v10, v10;
	v14 =	vld.idx.msk [tilespmem:v3+s8+$0x0], $0xffff  }
0x151: {  	(erf) = vrcp.f32 v2;
	v22 =	vmul.f32 v21, v21;
	v5 =	vld.idx.msk [tilespmem:v5+s8+$0x0], $0xffff  }
0x152: {  	v13 =	vld.idx.msk [tilespmem:v6+s8+$0x0], $0xffff;
	v3 =	vmul.f32 v11, v10;
	v6 =	vmul.f32 v11, v11  }
0x153: {  	(erf) = vrcp.f32 v1;
	v8 =	vld.idx.msk [tilespmem:v8+s8+$0x0], $0xffff;
	v30 =	vmul.f32 v22, v22  }
0x154: {  	v15 =	vmul.f32 $1.000000000e+01, v3;
	v17 =	vmul.f32 $1.500000000e+01, v6  }
0x155: {  	v16 =	vld.idx.msk [tilespmem:v7+s8+$0x0], $0xffff;
	v7 =	vmul.f32 v6, v10;
	v34 =	vmul.f32 v30, v21  }
0x156: {  	v3 =	vld [tilespmem:s21+$0xFFFFFFE0];
	v21 =	vmul.f32 v22, v21;
	v30 =	vmul.f32 $1.500000000e+01, v30;
	v10 =	vand.u32 $0x7F, v4  }
0x157: {  	v6 =	vld.idx.msk [tilespmem:v9+s8+$0x0], $0xffff;
	v11 =	vand.u32 $0xFFFFFF80, v14;
	v18 =	vand.u32 $0xFFFFFF80, v5;
	v9 =	vand.u32 $0x7F, v13  }
0x158: {  	v4 =	vand.u32 $0xFFFFFF80, v4;
	v19 =	vmul.f32 $6.000000000e+00, v7;
	v7 =	vld [tilespmem:s21+$0x0];
	v20 =	vand.u32 $0xFFFFFF80, v8  }
0x159: {  	v18 =	vadd.f32 v11, v18;
	v11 =	vcvt.s32.f32 v9;
	v9 =	vld.idx.msk [tilespmem:v12+s8+$0x0], $0xffff;
	v12 =	vand.u32 $0xFFFFFF80, v13  }
0x15a: {  	v21 =	vmul.f32 $1.000000000e+01, v21;
	v13 =	vand.u32 $0xFFFFFF80, v16;
	v4 =	vadd.f32 v4, v12  }
0x15b: {  	v10 =	vcvt.s32.f32 v10;
	v12 =	vadd.f32 v20, v13;
	v18 =	vmul.f32 $2.134319070e+00, v18  }
0x15c: {  	v13 =	vadd.f32 $-4.000000000e+00, v3;
	v20 =	vand.u32 $0xFFFFFF80, v6;
	v4 =	vmul.f32 $2.134319070e+00, v4  }
0x15d: {  	v27 =	vmul.f32 $2.134319070e+00, v12;
	v18 =	vmul.f32 v18, v3;
	v23 =	vadd.f32 $-4.000000000e+00, v7  }
0x15e: {  	v24 =	vmul.f32 v13, v13;
	v26 =	vand.u32 $0xFFFFFF80, v9;
	v4 =	vmul.f32 v4, v1  }
0x15f: {  	v25 =	vmul.f32 $-9.423000210e-01, v18;
	v12 =	vadd.f32 v26, v20;
	v20 =	vmul.f32 v23, v23  }
0x160: {  	v26 =	vmul.f32 $-3.200000050e+00, v18;
	v53 =	vmul.f32 $-4.027999940e-01, v18  }
0x161: {  	v18 =	vmul.f32 $-2.016000000e-01, v18;
	v38 =	vmul.f32 v24, v24  }
0x162: {  	v24 =	vmul.f32 v24, v13;
	v29 =	vmul.f32 $-2.016000000e-01, v4  }
0x163: {  	v31 =	vmul.f32 $-3.200000050e+00, v4;
	v33 =	vmul.f32 $-4.027999940e-01, v4  }
0x164: {  	v19 =	vsub.f32 $1.000000000e+00, v19;
	v4 =	vmul.f32 $-9.423000210e-01, v4;
	v12 =	vmul.f32 $2.134319070e+00, v12  }
0x165: {  	v32 =	vmul.f32 v20, v23;
	v28 =	vmul.f32 $1.442695020e+00, v53  }
0x166: {  	v17 =	vadd.f32 v19, v17;
	v20 =	vmul.f32 v20, v20;
	v18 =	vmul.f32 $1.442695020e+00, v18  }
0x167: {  	v25 =	vmul.f32 $1.442695020e+00, v25;
	v22 =	vmul.f32 v38, v13  }
0x168: {  	v13 =	vand.u32 $0x7F, v5;
	v5 =	vsub.f32 v17, v15;
	v17 =	vmul.f32 $6.000000000e+00, v34  }
0x169: {  	v26 =	vmul.f32 $1.442695020e+00, v26;
	v24 =	vmul.f32 $1.000000000e+01, v24  }
0x16a: {  	v4 =	vmul.f32 $1.442695020e+00, v4;
	v29 =	vmul.f32 $1.442695020e+00, v29  }
0x16b: {  	v35 =	vmul.f32 v12, v7;
	v12 =	vmul.f32 $1.442695020e+00, v31  }
0x16c: {  	(erf) = vpow2.f32 v4;
	v4 =	vmul.f32 $1.442695020e+00, v33  }
0x16d: {  	v36 =	vmul.f32 $-3.200000050e+00, v35;
	(erf) = vpow2.f32 v12  }
0x16e: {  	v23 =	vmul.f32 v20, v23;
	(erf) = vpow2.f32 v25  }
0x16f: {  	(erf) = vpow2.f32 v4;
	v4 =	vmul.f32 $1.442695020e+00, v36  }
0x170: {  	v15 =	vand.u32 $0x7F, v14;
	v56 =	vmul.f32 $1.000000000e+01, v32;
	v37 =	vmul.f32 $-9.423000210e-01, v35  }
0x171: {  	v14 =	vmax.f32 v5, $0.0e+00;
	v20 =	vmul.f32 $1.500000000e+01, v20;
	(erf) = vpow2.f32 v4  }
0x172: {  	v17 =	vsub.f32 $1.000000000e+00, v17;
	v54 =	vmul.f32 $-4.027999940e-01, v35;
	v19 =	vmul.f32 $1.442695020e+00, v37  }
0x173: {  	v12 =	vand.u32 $0x7F, v16;
	v16 =	vmul.f32 $6.000000000e+00, v22;
	v22 =	vmul.f32 v27, v2  }
0x174: {  	v17 =	vadd.f32 v17, v30;
	v23 =	vmul.f32 $6.000000000e+00, v23;
	v25 =	vmul.f32 $1.500000000e+01, v38;
	v4 =	vpop (erf)  }
0x175: {  	v27 =	vmul.f32 $-3.200000050e+00, v22;
	v31 =	vmul.f32 $1.442695020e+00, v54;
	v16 =	vsub.f32 $1.000000000e+00, v16;
	v5 =	vpop (erf)  }
0x176: {  	v21 =	vsub.f32 v17, v21;
	v57 =	vmul.f32 $-9.423000210e-01, v22;
	(erf) = vpow2.f32 v19;
	v19 =	vpop (erf)  }
0x177: {  	v59 =	vmul.f32 $-4.027999940e-01, v22;
	v23 =	vsub.f32 $1.000000000e+00, v23;
	(erf) = vpow2.f32 v29;
	v55 =	vpop (erf)  }
0x178: {  	v16 =	vadd.f32 v16, v25;
	(erf) = vpow2.f32 v28;
	v25 =	vmul.f32 $5.098999740e-01, v19;
	v19 =	vpop (erf)  }
0x179: {  	v22 =	vmul.f32 $-2.016000000e-01, v22;
	v23 =	vadd.f32 v23, v20;
	(erf) = vpow2.f32 v18;
	v17 =	vpop (erf)  }
0x17a: {  	v18 =	vsub.f32 v16, v24;
	v16 =	vmax.f32 v21, $0.0e+00;
	v21 =	vpop (erf);
	(erf) = vpow2.f32 v31  }
0x17b: {  	v27 =	vmul.f32 $1.442695020e+00, v27;
	v62 =	vmul.f32 $1.442695020e+00, v57  }
0x17c: {  	v63 =	vmul.f32 $1.442695020e+00, v22;
	v23 =	vsub.f32 v23, v56;
	v24 =	vmul.f32 $-2.016000000e-01, v35  }
0x17d: {  	v28 =	vmul.f32 $1.817999930e-01, v55;
	v58 =	vmin.f32 v16, $1.000000000e+00;
	(erf) = vpow2.f32 v27  }
0x17e: {  	v16 =	vmin.f32 v14, $1.000000000e+00;
	v14 =	vmul.f32 $1.389354610e+03, v58;
	v60 =	vmul.f32 $1.442695020e+00, v24  }
0x17f: {  	v18 =	vmax.f32 v18, $0.0e+00;
	v31 =	vmul.f32 $1.442695020e+00, v59;
	v21 =	vmul.f32 $1.817999930e-01, v21;
	v27 =	vpop (erf)  }
0x180: {  	v18 =	vmin.f32 v18, $1.000000000e+00;
	(erf) = vpow2.f32 v26;
	v27 =	vmul.f32 $5.098999740e-01, v27;
	v61 =	vpop (erf)  }
0x181: {  	v20 =	vadd.f32 v25, v28;
	v18 =	vmul.f32 $1.389354610e+03, v18;
	(erf) = vpow2.f32 v31;
	v24 =	vpop (erf)  }
0x182: {  	v26 =	vpop (erf);
	v25 =	vadd.f32 v27, v21;
	(erf) = vpow2.f32 v62;
	v21 =	vmul.f32 $2.817000080e-02, v61  }
0x183: {  	s19 =	simm.s32 $0xF460;
	s5 =	simm.s32 $0xFC20;
	s7 =	simm.s32 $0x0;
	v23 =	vmax.f32 v23, $0.0e+00;
	v22 =	vmul.f32 $2.817000080e-02, v26;
	(erf) = vpow2.f32 v60;
	v26 =	vpop (erf)  }
0x184: {  	s2 =	simm.s32 $0xFC20;
	s20 =	simm.s32 $0xEC60;
	s21 =	simm.s32 $0xE460;
	v23 =	vmin.f32 v23, $1.000000000e+00;
	(erf) = vpow2.f32 v63;
	v26 =	vmul.f32 $2.802000050e-01, v26  }
.LBB2_9:
0x185: {  	v27 =	vld [tilespmem:s20+$0xFFFFFFE0];
	s7 =	sadd.s32 $0x4, s7;
	v12 =	vcvt.s32.f32 v12;
	v28 =	vmul.f32 v10, v11;
	s5 =	sadd.s32 $0x40, s5  }
0x186: {  	v11 =	vcvt.s32.f32 v13;
	v13 =	vcvt.s32.f32 v15;
	v10 =	vld [tilespmem:s19+$0xFFFFFFF0];
	p0 =	slt.u32 s7, $0x78;
	v15 =	vadd.f32 v25, v26;
	v25 =	vpop (erf)  }
0x187: {  	vm0 =	vlt.f32 v2, $5.000000000e+00;
	v26 =	vld [tilespmem:s19+$0x10];
	(erf) = vrcp.f32 v7  }
0x188: {  	v2 =	vand.u32 $0x7F, v8;
	v11 =	vmul.f32 v13, v11;
	v8 =	vmul.f32 $1.817999930e-01, v25;
	v29 =	vld [tilespmem:s20+$0x10]  }
0x189: {  	vm1 =	vlt.f32 v1, $5.000000000e+00;
	v33 =	vcvt.s32.f32 v2;
	v13 =	vld [tilespmem:s21+$0x10];
	v1 =	vpop (erf);
	(erf) = vrcp.f32 v3  }
0x18a: {  	v16 =	vmul.f32 $1.389354610e+03, v16;
	v9 =	vand.u32 $0x7F, v9;
	v25 =	vld [tilespmem:s21+$0xFFFFFFE0];
	v1 =	vmul.f32 $1.817999930e-01, v1;
	v30 =	vpop (erf)  }
0x18b: {  	v12 =	vmul.f32 v33, v12;
	v31 =	vld [tilespmem:s21+$0xFFFFFFF0];
	v32 =	vadd.f32 $-4.000000000e+00, v10;
	(erf) = vrcp.f32 v10;
	v2 =	vpop (erf)  }
0x18c: {  	v19 =	vmul.f32 $5.098999740e-01, v19;
	vm2 =	vlt.f32 v7, $5.000000000e+00;
	v37 =	vmul.f32 $5.098999740e-01, v2;
	v7 =	vpop (erf)  }
0x18d: {  	v6 =	vand.u32 $0x7F, v6;
	v33 =	vld [tilespmem:s20+$0xFFFFFFF0];
	v34 =	vmul.f32 v32, v32;
	v7 =	vmul.f32 $2.817000080e-02, v7;
	v35 =	vpop (erf)  }
0x18e: {  	v24 =	vmul.f32 $2.802000050e-01, v24;
	v19 =	vadd.f32 v19, v1;
	v2 =	vmovc v10;
	v36 =	vld [tilespmem:s21+$0x0];
	v8 =	vadd.f32 v37, v8;
	v1 =	vmovc v26  }
0x18f: {  	v10 =	vmul.f32 v34, v32;
	v26 =	vld [tilespmem:s20+$0x0];
	v7 =	vadd.f32 v15, v7;
	v15 =	vmul.f32 $2.802000050e-01, v17  }
0x190: {  	v19 =	vadd.f32 v19, v24;
	v24 =	vmul.f32 $2.802000050e-01, v30;
	v17 =	vmul.f32 v34, v34;
	v29 =	vld.idx.msk [tilespmem:v29+s8+$0x0], $0xffff;
	v30 =	vpop (erf)  }
0x191: {  	v27 =	vld.idx.msk [tilespmem:v27+s8+$0x0], $0xffff;
	v34 =	vmul.f32 $1.000000000e+01, v10;
	v10 =	vmul.f32 $2.817000080e-02, v35;
	v15 =	vadd.f32 v20, v15  }
0x192: {  	v6 =	vcvt.s32.f32 v6;
	v9 =	vcvt.s32.f32 v9;
	v19 =	vadd.f32 v19, v22;
	v20 =	vld.idx.msk [tilespmem:v25+s8+$0x0], $0xffff;
	v22 =	vpop (erf)  }
0x193: {  	v23 =	vmul.f32 $1.389354610e+03, v23;
	v8 =	vadd.f32 v8, v24;
	v25 =	vmul.f32 $1.500000000e+01, v17;
	v13 =	vld.idx.msk [tilespmem:v13+s8+$0x0], $0xffff  }
0x194: {  	vm3 =	vlt.f32 v3, $5.000000000e+00;
	v3 =	vmul.f32 v9, v6;
	v18 =	vmul.f32 v19, v18;
	v24 =	vpop (erf);
	v35 =	vld [tilespmem:s2+$0xFFFFFFE0]  }
0x195: {  	v7 =	vmul.f32 v7, v23;
	v9 =	vadd.f32 v8, v10;
	v10 =	vadd.f32 v15, v21;
	v19 =	vld.idx.msk [tilespmem:v31+s8+$0x0], $0xffff  }
0x196: {  	v15 =	vmul.f32 v17, v32;
	v11 =	vmul.f32 v18, v11;
	v17 =	vand.u32 $0x7F, v29;
	v8 =	vld.idx.msk [tilespmem:v33+s8+$0x0], $0xffff  }
0x197: {  	v7 =	vmul.f32 v7, v3;
	v18 =	vand.u32 $0xFFFFFF80, v29;
	v16 =	vmul.f32 v9, v16;
	v6 =	vld.idx.msk [tilespmem:v36+s8+$0x0], $0xffff  }
0x198: {  	v14 =	vmul.f32 v10, v14;
	v21 =	vand.u32 $0xFFFFFF80, v27;
	v9 =	vld.idx.msk [tilespmem:v26+s8+$0x0], $0xffff;
	(erf) = vrcp.f32 v1  }
0x199: {  	v10 =	vcvt.s32.f32 v17;
	v17 =	vmul.f32 v11, v22;
	v23 =	vand.u32 $0x7F, v13;
	v22 =	vld [tilespmem:s2+$0x0]  }
0x19a: {  	v15 =	vmul.f32 $6.000000000e+00, v15;
	v13 =	vand.u32 $0xFFFFFF80, v13;
	v11 =	vcvt.s32.f32 v23;
	v3 =	vld [tilespmem:s19+$0xFFFFFFE0]  }
0x19b: {  	v14 =	vmul.f32 v14, v28;
	v23 =	vand.u32 $0xFFFFFF80, v20;
	v26 =	vand.u32 $0xFFFFFF80, v19;
	v29 =	vld [tilespmem:s2+$0x10]  }
0x19c: {  	v30 =	vmul.f32 v7, v30;
	v21 =	vadd.f32 v21, v23;
	v23 =	vand.u32 $0xFFFFFF80, v8;
	v28 =	vld [tilespmem:s2+$0xFFFFFFF0];
	s2 =	smov.u32 s5  }
0x19d: {  	v12 =	vmul.f32 v16, v12;
	v23 =	vadd.f32 v23, v26;
	v26 =	vand.u32 $0xFFFFFF80, v6;
	v7 =	vld [tilespmem:s19+$0x0]  }
0x19e: {  	v31 =	vadd.f32 $-4.000000000e+00, v1;
	v17 =	vnsel vm3, $0x0, v17;
	v16 =	vand.u32 $0xFFFFFF80, v9  }
0x19f: {  	v14 =	vmul.f32 v14, v5;
	v21 =	vmul.f32 $2.134319070e+00, v21;
	v32 =	vadd.f32 $-4.000000000e+00, v3;
	[tilespmem:v35+s29+$0x0] =	vst.idx.add.f32.msk $0xffff, v17  }
0x1a0: {  	v13 =	vadd.f32 v18, v13;
	v16 =	vadd.f32 v16, v26;
	v17 =	vmul.f32 v31, v31  }
0x1a1: {  	v12 =	vmul.f32 v12, v4;
	v26 =	vnsel vm2, $0x0, v30;
	v18 =	vmul.f32 v21, v3;
	v5 =	vpop (erf)  }
0x1a2: {  	v4 =	vmovc v24;
	v13 =	vmul.f32 $2.134319070e+00, v13;
	v14 =	vnsel vm1, $0x0, v14;
	v21 =	vadd.f32 $-4.000000000e+00, v7;
	[tilespmem:v22+s29+$0x0] =	vst.idx.add.f32.msk $0xffff, v26  }
0x1a3: {  	v15 =	vsub.f32 $1.000000000e+00, v15;
	v24 =	vnsel vm0, $0x0, v12;
	v22 =	vmul.f32 v32, v32;
	[tilespmem:v29+s29+$0x0] =	vst.idx.add.f32.msk $0xffff, v14  }
0x1a4: {  	v12 =	vand.u32 $0x7F, v19;
	v19 =	vmul.f32 $2.134319070e+00, v23;
	v14 =	vmul.f32 $-9.423000210e-01, v18;
	[tilespmem:v28+s29+$0x0] =	vst.idx.add.f32.msk $0xffff, v24  }
0x1a5: {  	v15 =	vadd.f32 v15, v25;
	v23 =	vmul.f32 v21, v21;
	v24 =	vmul.f32 v13, v1  }
0x1a6: {  	v25 =	vmul.f32 $-4.027999940e-01, v18;
	v13 =	vand.u32 $0x7F, v20;
	v20 =	vmul.f32 $-3.200000050e+00, v18  }
0x1a7: {  	v26 =	vsub.f32 v15, v34;
	v29 =	vmul.f32 v17, v17;
	v28 =	vmul.f32 $-2.016000000e-01, v24  }
0x1a8: {  	v15 =	vand.u32 $0x7F, v27;
	v27 =	vmul.f32 $2.134319070e+00, v16;
	v30 =	vmul.f32 $-3.200000050e+00, v24  }
0x1a9: {  	v16 =	vmax.f32 v26, $0.0e+00;
	v26 =	vmul.f32 v23, v21;
	v33 =	vmul.f32 $-4.027999940e-01, v24  }
0x1aa: {  	v25 =	vmul.f32 $1.442695020e+00, v25;
	v16 =	vmin.f32 v16, $1.000000000e+00;
	v34 =	vmul.f32 v29, v31  }
0x1ab: {  	v18 =	vmul.f32 $-2.016000000e-01, v18;
	v23 =	vmul.f32 v23, v23  }
0x1ac: {  	v27 =	vmul.f32 v27, v7;
	v24 =	vmul.f32 $-9.423000210e-01, v24  }
0x1ad: {  	v18 =	vmul.f32 $1.442695020e+00, v18;
	v21 =	vmul.f32 v23, v21  }
0x1ae: {  	v35 =	vmul.f32 $-3.200000050e+00, v27;
	v30 =	vmul.f32 $1.442695020e+00, v30  }
0x1af: {  	v36 =	vmul.f32 $-4.027999940e-01, v27;
	v24 =	vmul.f32 $1.442695020e+00, v24  }
0x1b0: {  	v14 =	vmul.f32 $1.442695020e+00, v14;
	v37 =	vmul.f32 $-9.423000210e-01, v27  }
0x1b1: {  	v38 =	vmul.f32 v22, v22;
	(erf) = vpow2.f32 v24  }
0x1b2: {  	v17 =	vmul.f32 v17, v31;
	v24 =	vmul.f32 $1.442695020e+00, v33  }
0x1b3: {  	v31 =	vmul.f32 v38, v32;
	(erf) = vpow2.f32 v30  }
0x1b4: {  	v22 =	vmul.f32 v22, v32;
	(erf) = vpow2.f32 v14  }
0x1b5: {  	v14 =	vmul.f32 $6.000000000e+00, v31;
	(erf) = vpow2.f32 v24  }
0x1b6: {  	v30 =	vmul.f32 $1.442695020e+00, v37;
	v24 =	vmul.f32 $1.442695020e+00, v35  }
0x1b7: {  	v31 =	vmul.f32 v19, v2;
	v19 =	vmul.f32 $6.000000000e+00, v34;
	v14 =	vsub.f32 $1.000000000e+00, v14  }
0x1b8: {  	v34 =	vmul.f32 $1.500000000e+01, v38;
	(erf) = vpow2.f32 v24  }
0x1b9: {  	v33 =	vmul.f32 $1.442695020e+00, v20;
	v20 =	vmul.f32 $-3.200000050e+00, v31;
	v19 =	vsub.f32 $1.000000000e+00, v19  }
0x1ba: {  	v29 =	vmul.f32 $1.500000000e+01, v29;
	v14 =	vadd.f32 v14, v34;
	v24 =	vmul.f32 $1.442695020e+00, v36;
	v32 =	vpop (erf)  }
0x1bb: {  	v22 =	vmul.f32 $1.000000000e+01, v22;
	v28 =	vmul.f32 $1.442695020e+00, v28  }
0x1bc: {  	v29 =	vadd.f32 v19, v29;
	v34 =	vmul.f32 $1.000000000e+01, v17;
	(erf) = vpow2.f32 v30;
	v30 =	vpop (erf)  }
0x1bd: {  	v32 =	vmul.f32 $5.098999740e-01, v32;
	v19 =	vpop (erf);
	(erf) = vpow2.f32 v28  }
0x1be: {  	v14 =	vsub.f32 v14, v22;
	v22 =	vsub.f32 v29, v34;
	(erf) = vpow2.f32 v25;
	v17 =	vpop (erf)  }
0x1bf: {  	v26 =	vmul.f32 $1.000000000e+01, v26;
	(erf) = vpow2.f32 v18  }
0x1c0: {  	v21 =	vmul.f32 $6.000000000e+00, v21;
	v14 =	vmax.f32 v14, $0.0e+00;
	v18 =	vmul.f32 $-2.016000000e-01, v27  }
0x1c1: {  	v20 =	vmul.f32 $1.442695020e+00, v20;
	v22 =	vmax.f32 v22, $0.0e+00;
	v25 =	vmul.f32 $1.817999930e-01, v30;
	v27 =	vpop (erf)  }
0x1c2: {  	v28 =	vmul.f32 $-9.423000210e-01, v31;
	v22 =	vmin.f32 v22, $1.000000000e+00;
	(erf) = vpow2.f32 v24  }
0x1c3: {  	v24 =	vmin.f32 v14, $1.000000000e+00;
	v27 =	vmul.f32 $1.817999930e-01, v27;
	v14 =	vmul.f32 $1.389354610e+03, v22  }
0x1c4: {  	v23 =	vmul.f32 $1.500000000e+01, v23;
	v21 =	vsub.f32 $1.000000000e+00, v21;
	v22 =	vmul.f32 $-4.027999940e-01, v31  }
0x1c5: {  	v29 =	vmul.f32 $-2.016000000e-01, v31;
	(erf) = vpow2.f32 v20;
	v20 =	vpop (erf)  }
0x1c6: {  	v31 =	vmul.f32 $1.442695020e+00, v18;
	v30 =	vmul.f32 $5.098999740e-01, v20;
	v20 =	vadd.f32 v32, v25;
	v32 =	vpop (erf)  }
0x1c7: {  	v21 =	vadd.f32 v21, v23;
	v18 =	vmul.f32 $1.389354610e+03, v24;
	v22 =	vmul.f32 $1.442695020e+00, v22;
	v24 =	vpop (erf)  }
.Ltmp3:
0x1c8: {  	v23 =	vmul.f32 $1.442695020e+00, v28;
	v25 =	vadd.f32 v30, v27;
	(erf) = vpow2.f32 v33;
	v27 =	vpop (erf);
	(pc) =	sbr.rel @p0 .LBB2_9-.Ltmp3, $4  }
0x1c9: {  	v21 =	vsub.f32 v21, v26;
	v28 =	vmul.f32 $1.442695020e+00, v29;
	(erf) = vpow2.f32 v22  }
0x1ca: {  	v22 =	vmul.f32 $2.817000080e-02, v27;
	(erf) = vpow2.f32 v23  }
0x1cb: {  	v23 =	vmax.f32 v21, $0.0e+00;
	v21 =	vmul.f32 $2.817000080e-02, v32;
	v26 =	vpop (erf);
	(erf) = vpow2.f32 v31  }
0x1cc: {  	s21 =	sadd.s32 $0x40, s21;
	s20 =	sadd.s32 $0x40, s20;
	s19 =	sadd.s32 $0x40, s19;
	v23 =	vmin.f32 v23, $1.000000000e+00;
	v26 =	vmul.f32 $2.802000050e-01, v26;
	(erf) = vpow2.f32 v28  }
0x1cd: {  	v13 =	vcvt.s32.f32 v13  }
0x1ce: {  	v15 =	vcvt.s32.f32 v15;
	v10 =	vmul.f32 v10, v11  }
0x1cf: {  	v12 =	vcvt.s32.f32 v12;
	v19 =	vmul.f32 $5.098999740e-01, v19  }
0x1d0: {  	v8 =	vand.u32 $0x7F, v8;
	v24 =	vmul.f32 $2.802000050e-01, v24;
	v16 =	vmul.f32 $1.389354610e+03, v16;
	v27 =	vpop (erf)  }
0x1d1: {  	v9 =	vand.u32 $0x7F, v9;
	v17 =	vmul.f32 $2.802000050e-01, v17;
	v34 =	vmul.f32 $1.389354610e+03, v23;
	v62 =	vpop (erf)  }
0x1d2: {  	v6 =	vand.u32 $0x7F, v6;
	(erf) = vrcp.f32 v7;
	v63 =	vpop (erf);
	v11 =	vmul.f32 $1.817999930e-01, v62  }
0x1d3: {  	v25 =	vadd.f32 v25, v26;
	v8 =	vcvt.s32.f32 v8;
	v27 =	vmul.f32 $1.817999930e-01, v27;
	v30 =	vpop (erf)  }
0x1d4: {  	(erf) = vrcp.f32 v3;
	v26 =	vmul.f32 $5.098999740e-01, v30;
	v11 =	vadd.f32 v19, v11  }
0x1d5: {  	v6 =	vcvt.s32.f32 v6;
	v13 =	vmul.f32 v15, v13;
	v17 =	vadd.f32 v20, v17  }
0x1d6: {  	v15 =	vmul.f32 $2.802000050e-01, v63;
	v32 =	vpop (erf);
	v31 =	vadd.f32 v26, v27;
	v11 =	vadd.f32 v11, v24  }
0x1d7: {  	v9 =	vcvt.s32.f32 v9;
	v36 =	vadd.f32 v17, v21;
	v33 =	vpop (erf);
	v26 =	vmul.f32 $2.817000080e-02, v32  }
0x1d8: {  	v40 =	vld [tilespmem:s2+$0x10];
	v24 =	vmul.f32 $2.817000080e-02, v33;
	v11 =	vadd.f32 v11, v22;
	v15 =	vadd.f32 v31, v15  }
0x1d9: {  	v35 =	vld [tilespmem:s2+$0xFFFFFFE0];
	v8 =	vmul.f32 v8, v12;
	v12 =	vmul.f32 v36, v14;
	v25 =	vadd.f32 v25, v26  }
0x1da: {  	v37 =	vld [tilespmem:s2+$0x0];
	v6 =	vmul.f32 v9, v6;
	v11 =	vmul.f32 v11, v18;
	v38 =	vadd.f32 v15, v24  }
0x1db: {  	v42 =	vld [tilespmem:s2+$0xFFFFFFF0];
	v10 =	vmul.f32 v12, v10;
	v39 =	vmul.f32 v25, v34  }
0x1dc: {  	v41 =	vpop (erf);
	v11 =	vmul.f32 v11, v13;
	v9 =	vmul.f32 v38, v16  }
0x1dd: {  	vm0 =	vlt.f32 v3, $5.000000000e+00;
	v5 =	vmul.f32 v10, v5;
	v43 =	vpop (erf);
	v6 =	vmul.f32 v39, v6  }
0x1de: {  	vm13 =	vlt.f32 v1, $5.000000000e+00;
	v11 =	vmul.f32 v11, v43;
	v44 =	vmul.f32 v9, v8  }
0x1df: {  	vm14 =	vlt.f32 v2, $5.000000000e+00;
	v2 =	vnsel vm13, $0x0, v5;
	v3 =	vmul.f32 v6, v41  }
0x1e0: {  	vm1 =	vlt.f32 v7, $5.000000000e+00;
	[tilespmem:v40+s29+$0x0] =	vst.idx.add.f32.msk $0xffff, v2;
	v45 =	vnsel vm0, $0x0, v11;
	v1 =	vmul.f32 v44, v4  }
0x1e1: {  	v3 =	vnsel vm1, $0x0, v3;
	[tilespmem:v35+s29+$0x0] =	vst.idx.add.f32.msk $0xffff, v45  }
0x1e2: {  	[tilespmem:v37+s29+$0x0] =	vst.idx.add.f32.msk $0xffff, v3;
	v1 =	vnsel vm14, $0x0, v1  }
0x1e3: {  	[tilespmem:v42+s29+$0x0] =	vst.idx.add.f32.msk $0xffff, v1  }
0x1e4: {  	v1 =	vld [tilespmem:$0xEBC0]  }
0x1e5: {  	v2 =	vld [tilespmem:$0xF3C0];
	_ =	sdelay $0x6  }
0x1e6: {  	v1 =	vld.idx.msk [tilespmem:v1+s8+$0x0], $0xffff  }
0x1e7: {  	v2 =	vld.idx.msk [tilespmem:v2+s8+$0x0], $0xffff;
	_ =	sdelay $0x4  }
0x1e8: {  	v3 =	vld [tilespmem:$0xFBC0];
	v46 =	vand.u32 $0xFFFFFF80, v1;
	v47 =	vand.u32 $0xFFFFFF80, v2  }
0x1e9: {  	v4 =	vadd.f32 v47, v46;
	_ =	sdelay $0x1  }
0x1ea: {  	v4 =	vmul.f32 $2.134319070e+00, v4;
	_ =	sdelay $0x1  }
0x1eb: {  	v4 =	vmul.f32 v4, v3;
	_ =	sdelay $0x1  }
0x1ec: {  	v51 =	vadd.f32 $-4.000000000e+00, v3;
	v48 =	vmul.f32 $-3.200000050e+00, v4  }
0x1ed: {  	v49 =	vmul.f32 $-9.423000210e-01, v4  }
0x1ee: {  	v53 =	vmul.f32 v51, v51;
	v5 =	vmul.f32 $1.442695020e+00, v48  }
0x1ef: {  	v50 =	vmul.f32 $-4.027999940e-01, v4;
	v6 =	vmul.f32 $1.442695020e+00, v49  }
0x1f0: {  	v4 =	vmul.f32 $-2.016000000e-01, v4;
	(erf) = vpow2.f32 v5  }
0x1f1: {  	v52 =	vmul.f32 $1.442695020e+00, v50;
	(erf) = vpow2.f32 v6  }
0x1f2: {  	v54 =	vmul.f32 v53, v53  }
0x1f3: {  	v4 =	vmul.f32 $1.442695020e+00, v4;
	(erf) = vpow2.f32 v52  }
0x1f4: {  	v55 =	vmul.f32 v54, v51  }
0x1f5: {  	(erf) = vpow2.f32 v4  }
0x1f6: {  	v4 =	vmul.f32 $-6.000000000e+00, v55;
	_ =	sdelay $0x1  }
0x1f7: {  	v5 =	vmul.f32 v53, v51;
	v6 =	vmul.f32 $1.500000000e+01, v54;
	v4 =	vadd.f32 $1.000000000e+00, v4  }
0x1f8: {  	v56 =	vpop (erf)  }
0x1f9: {  	v5 =	vmul.f32 $-1.000000000e+01, v5;
	v4 =	vadd.f32 v4, v6;
	v57 =	vpop (erf)  }
0x1fa: {  	v58 =	vmul.f32 $1.817999930e-01, v56;
	v59 =	vmul.f32 $5.098999740e-01, v57  }
0x1fb: {  	v4 =	vadd.f32 v5, v4;
	v61 =	vpop (erf)  }
0x1fc: {  	(erf) = vrcp.f32 v3;
	v7 =	vmul.f32 $2.802000050e-01, v61;
	v60 =	vadd.f32 v59, v58  }
0x1fd: {  	v1 =	vand.u32 $0x7F, v1;
	v62 =	vpop (erf)  }
0x1fe: {  	v4 =	vmax.f32 v4, $0.0e+00;
	v5 =	vmul.f32 $2.817000080e-02, v62;
	v6 =	vadd.f32 v60, v7  }
0x1ff: {  	v2 =	vand.u32 $0x7F, v2;
	v1 =	vcvt.s32.f32 v1;
	v4 =	vmin.f32 v4, $1.000000000e+00  }
0x200: {  	v2 =	vcvt.s32.f32 v2;
	v4 =	vmul.f32 $1.389354610e+03, v4;
	v5 =	vadd.f32 v6, v5  }
0x201: {  	v63 =	vld [tilespmem:$0x103C0]  }
0x202: {  	v1 =	vmul.f32 v2, v1;
	v4 =	vmul.f32 v5, v4  }
0x203: {  	s6 =	sadd.s32 $0x1, s6  }
0x204: {  	p0 =	sne.s32 s6, $0x19;
	v1 =	vmul.f32 v4, v1  }
.Ltmp4:
0x205: {  	v2 =	vpop (erf);
	(pc) =	sbr.rel @p0 .LBB2_6-.Ltmp4, $4  }
0x206: {  	v1 =	vmul.f32 v1, v2  }
0x207: {  	vm15 =	vlt.f32 v3, $5.000000000e+00  }
0x208: {  	v1 =	vnsel vm15, $0x0, v1  }
0x209: {  	[tilespmem:v63+s29+$0x0] =	vst.idx.add.f32.msk $0xffff, v1  }
0x20a: {  	s31 =	sadd.s32 $0x1, s31  }
0x20b: {  	p0 =	sne.s32 s31, s16  }
.Ltmp5:
0x20c: {  	_ = 	snop;
	(pc) =	sbr.rel @p0 .LBB2_1-.Ltmp5, $4  }
0x20d: {  	[hbm4b:s15+s8] =	stream.linear.scatter [tilespmem:s29], [sflag:$0x3], $0x80, $0x38;
	[tilespmem:$0x10480] =	vst v63  }
0x20e: {  	_ =	swait.ge [sflag:s18], $0x80  }
0x20f: {  	[sflag:s18] =	ssyncset.done $0x0  }
0x210: {  	[sflag:s18] =	ssyncadd.s32 $0xFFFFFF80  }
0x211: {  	_ =	sfence.sel $0x180000  }
0x212: {  	[bflag:$0x0] =	sbarrier.arrive $0xFFFF  }
0x213: {  	_ =	strace $0x90000047  }
0x214: {  	s0 =	stileid.u32;
	[bflag:$0x2] =	sbarrier.arrive $0xFFFF  }
0x215: {  	p0 =	sne.s32 s0, $0x0;
	s0 =	rddreg [dreg:$0x7]  }
0x216: {  	s0 =	sadd.s32 @!p0 $0x100000, s0  }
0x217: {  	[sflag:s0] =	ssyncadd.tile.s32 @!p0 $0x1;
	_ =	shalt  }
.Lfunc_end2:
_tile_overlayer_lowered:
.L_overlay_start_2:
0x218: {  	(tag) =	ssettag $0x2  }
0x219: {  	s0 =	rddreg [dreg:$0x0];
	s2 =	stileid.u32  }
0x21a: {  	s1 =	rddreg [dreg:$0x1];
	p0 =	sne.s32 s2, $0x0  }
0x21b: {  	s3 =	rddreg [dreg:$0x2];
	[bflag:$0x3] =	sbarrier.arrive $0xFFFF;
	s2 =	simm.s32 @!p0 $0x1C03  }
0x21c: {  	[timem:s3], [sflag:s2] =	dma.local @!p0 [hbm:s0], s1  }
0x21d: {  	s0 =	simm.s32 @!p0 $0x3  }
0x21e: {  	_ =	swait.ge @!p0 [sflag:s0], s1  }
0x21f: {  	s1 =	ssub.s32 @!p0 $0x0, s1;
	[sflag:s0] =	ssyncset.done @!p0 $0x0  }
0x220: {  	[sflag:s0] =	ssyncadd.s32 @!p0 s1  }
0x221: {  	[bflag:$0x3] =	sbarrier.arrive $0xFFFF  }
0x222: {  	_ =	shalt  }

</sc_bundles>
